<compile_context>
chip_gen: v7x
topology: tpu7x:2x2x1
jax: 0.10.2.dev20260603
libtpu: 0.0.44.dev20260713+nightly
codegen_flags: <defaults>
</compile_context>

<pallas_src>
import functools

import jax
import jax.numpy as jnp
import numpy as np
from jax.experimental import pallas as pl
from jax.experimental.pallas import tpu as pltpu
from jax.experimental.pallas import tpu_sc as plsc

N_ATOMS = 100000
NUM_FEATURES = 128
NUM_ELEMENTS = 118
NUM_GRAPHS = 1024

N_TILES = 16
CHUNK = 6272
N_PAD = N_TILES * CHUNK
VECS = CHUNK // 16
G_VECS = NUM_GRAPHS // 16
ACC_N = NUM_GRAPHS + 16

B1 = 12544
B2 = 10000

_INV_SQRT_D = float(1.0 / np.sqrt(NUM_FEATURES))
_EPS = 1e-6


def _y_body(eoh_ref, wq_ref, wk_ref, y_ref):
    w = jnp.dot(wk_ref[0:1, :], wq_ref[...], preferred_element_type=jnp.float32)
    s = jnp.sum(eoh_ref[...] * w, axis=1, keepdims=True) * _INV_SQRT_D
    row = (pl.program_id(0) * B1
           + jax.lax.broadcasted_iota(jnp.int32, (B1, 1), 0))
    y_ref[...] = jnp.where(row < N_ATOMS, jax.nn.softplus(s), 0.0)


_DN_T = (((1,), (1,)), ((), ()))


def _mlp_body(att_ref, wv_ref, w1_ref, w2_ref, out_ref):
    a = att_ref[...]
    v_att = a * wv_ref[0:1, :]
    h = jax.nn.silu(v_att)
    h = jax.lax.dot_general(h, w1_ref[...], _DN_T,
                            preferred_element_type=jnp.float32)
    h = jax.nn.silu(h)
    h = jax.lax.dot_general(h, w2_ref[...], _DN_T,
                            preferred_element_type=jnp.float32)
    out_ref[...] = v_att + h


_sc_mesh = plsc.VectorSubcoreMesh(
    core_axis_name="c", subcore_axis_name="s", num_cores=1
)


_UNROLL = 4
assert VECS % _UNROLL == 0


@functools.partial(
    pl.kernel,
    out_type=jax.ShapeDtypeStruct((N_TILES, ACC_N), jnp.float32),
    mesh=_sc_mesh,
    compiler_params=pltpu.CompilerParams(needs_layout_passes=False),
    scratch_types=[
        pltpu.VMEM((CHUNK,), jnp.float32),
        pltpu.VMEM((CHUNK,), jnp.int32),
        pltpu.VMEM((ACC_N,), jnp.float32),
        pltpu.VMEM((ACC_N,), jnp.float32),
    ],
)
def _partials_sc(y_hbm, seg_hbm, part_hbm, y_v, seg_v, acc_v, out_v):
    sid = jax.lax.axis_index("s")
    base = sid * CHUNK
    pltpu.sync_copy(y_hbm.at[pl.ds(base, CHUNK)], y_v)
    pltpu.sync_copy(seg_hbm.at[pl.ds(base, CHUNK)], seg_v)

    zero16 = jnp.zeros((16,), jnp.float32)

    def zero_step(j, c):
        acc_v[pl.ds(j * 16, 16)] = zero16
        return c

    jax.lax.fori_loop(0, ACC_N // 16, zero_step, 0)

    def acc_step(i, c):
        for u in range(_UNROLL):
            off = (i * _UNROLL + u) * 16
            idx = seg_v[pl.ds(off, 16)]
            val = y_v[pl.ds(off, 16)]
            plsc.addupdate_scatter(acc_v, [idx], val)
        return c

    jax.lax.fori_loop(0, VECS // _UNROLL, acc_step, 0)

    def copy_step(j, c):
        out_v[pl.ds(j * 16, 16)] = acc_v[pl.ds(j * 16, 16)]
        return c

    jax.lax.fori_loop(0, ACC_N // 16, copy_step, 0)
    pltpu.sync_copy(out_v, part_hbm.at[sid])


@functools.partial(
    pl.kernel,
    out_type=jax.ShapeDtypeStruct((N_PAD,), jnp.float32),
    mesh=_sc_mesh,
    compiler_params=pltpu.CompilerParams(needs_layout_passes=False),
    scratch_types=[
        pltpu.VMEM((N_TILES, ACC_N), jnp.float32),
        pltpu.VMEM((NUM_GRAPHS,), jnp.float32),
        pltpu.VMEM((ACC_N,), jnp.float32),
        pltpu.VMEM((CHUNK,), jnp.float32),
        pltpu.VMEM((CHUNK,), jnp.int32),
    ],
)
def _att_sc(part_hbm, psi_hbm, y_hbm, seg_hbm, att_hbm,
            part_v, psi_v, acc_v, y_v, seg_v):
    sid = jax.lax.axis_index("s")
    base = sid * CHUNK
    pltpu.sync_copy(part_hbm, part_v)
    pltpu.sync_copy(psi_hbm, psi_v)
    pltpu.sync_copy(y_hbm.at[pl.ds(base, CHUNK)], y_v)
    pltpu.sync_copy(seg_hbm.at[pl.ds(base, CHUNK)], seg_v)

    def ratio_step(j, c):
        s = part_v[0, pl.ds(j * 16, 16)]
        for r in range(1, N_TILES):
            s = s + part_v[r, pl.ds(j * 16, 16)]
        acc_v[pl.ds(j * 16, 16)] = psi_v[pl.ds(j * 16, 16)] / (s + _EPS)
        return c

    jax.lax.fori_loop(0, G_VECS, ratio_step, 0)
    zero16 = jnp.zeros((16,), jnp.float32)
    acc_v[pl.ds(NUM_GRAPHS, 16)] = zero16

    def att_step(i, c):
        for u in range(_UNROLL):
            off = (i * _UNROLL + u) * 16
            idx = seg_v[pl.ds(off, 16)]
            rat = plsc.load_gather(acc_v, [idx])
            y_v[pl.ds(off, 16)] = rat * y_v[pl.ds(off, 16)]
        return c

    jax.lax.fori_loop(0, VECS // _UNROLL, att_step, 0)
    pltpu.sync_copy(y_v, att_hbm.at[pl.ds(base, CHUNK)])


def kernel(elements_one_hot, psi, batch_segments, num_graphs, Wq, Wk, Wv, W1, W2):
    n = elements_one_hot.shape[0]
    pad = N_PAD - n

    y = pl.pallas_call(
        _y_body,
        grid=(N_PAD // B1,),
        in_specs=[
            pl.BlockSpec((B1, NUM_ELEMENTS), lambda i: (i, 0)),
            pl.BlockSpec((NUM_FEATURES, NUM_ELEMENTS), lambda i: (0, 0)),
            pl.BlockSpec((2, NUM_FEATURES), lambda i: (0, 0)),
        ],
        out_specs=pl.BlockSpec((B1, 1), lambda i: (i, 0)),
        out_shape=jax.ShapeDtypeStruct((N_PAD, 1), jnp.float32),
    )(elements_one_hot, Wq, Wk)

    seg_pad = jnp.concatenate(
        [
            batch_segments.astype(jnp.int32),
            jnp.full((pad,), NUM_GRAPHS, jnp.int32),
        ]
    )

    y_flat = y.reshape(N_PAD)
    partials = _partials_sc(y_flat, seg_pad)
    att = _att_sc(partials, psi, y_flat, seg_pad)

    out = pl.pallas_call(
        _mlp_body,
        grid=(n // B2,),
        in_specs=[
            pl.BlockSpec((B2, 1), lambda i: (i, 0)),
            pl.BlockSpec((2, NUM_FEATURES), lambda i: (0, 0)),
            pl.BlockSpec((NUM_FEATURES, NUM_FEATURES), lambda i: (0, 0)),
            pl.BlockSpec((NUM_FEATURES, NUM_FEATURES), lambda i: (0, 0)),
        ],
        out_specs=pl.BlockSpec((B2, NUM_FEATURES), lambda i: (i, 0)),
        out_shape=jax.ShapeDtypeStruct((n, NUM_FEATURES), jnp.float32),
    )(att.reshape(N_PAD, 1), Wv, W1, W2)

    return out

# --- scband reference (transcript-rebuilt; emitter-appended) ---
"""Pipeline reference for scband-charge-spin-embedding-61546881352460 (READ-ONLY COPY).

The authoritative reference and input builder live on the scoring server;
editing this copy changes nothing except your own understanding.
"""

import jax, jax.numpy as jnp
import numpy as np

N_ATOMS = 100000
NUM_FEATURES = 128
NUM_ELEMENTS = 118
NUM_GRAPHS = 1024


def setup_inputs(seed: int = 0) -> dict:
    key = jax.random.key(seed)
    ks = jax.random.split(key, 8)
    elements_one_hot = jax.random.uniform(ks[0], (N_ATOMS, NUM_ELEMENTS), dtype=jnp.float32)
    psi = jax.random.normal(ks[1], (NUM_GRAPHS,), dtype=jnp.float32)
    batch_segments = jnp.sort(jax.random.randint(ks[2], (N_ATOMS,), 0, NUM_GRAPHS, dtype=jnp.int32))
    # learned parameters sized per init_kwargs
    Wq = jax.random.normal(ks[3], (NUM_FEATURES, NUM_ELEMENTS), dtype=jnp.float32) * 0.05
    Wk = jax.random.uniform(ks[4], (2, NUM_FEATURES), dtype=jnp.float32, minval=-1.0, maxval=1.0) / np.sqrt(NUM_FEATURES)
    Wv = jax.random.uniform(ks[5], (2, NUM_FEATURES), dtype=jnp.float32, minval=-1.0, maxval=1.0) / np.sqrt(NUM_FEATURES)
    W1 = jax.random.normal(ks[6], (NUM_FEATURES, NUM_FEATURES), dtype=jnp.float32) * 0.05
    W2 = jax.random.normal(ks[7], (NUM_FEATURES, NUM_FEATURES), dtype=jnp.float32) * 0.05
    return {
        "elements_one_hot": elements_one_hot,
        "psi": psi,
        "batch_segments": batch_segments,
        "num_graphs": NUM_GRAPHS,
        "Wq": Wq,
        "Wk": Wk,
        "Wv": Wv,
        "W1": W1,
        "W2": W2,
    }


def reference(elements_one_hot, psi, batch_segments, num_graphs, Wq, Wk, Wv, W1, W2):
    eps = 1e-6
    sqrt_dim = np.sqrt(Wq.shape[0]).astype(np.float32)
    # q = self.Wq(elements_one_hot)  (Linear, no bias)
    q = elements_one_hot @ Wq.T
    # idx = (psi // inf).int()  -> 0 for all finite psi (floor of +/-0.0); non-differentiable cast
    idx = jnp.floor(jax.lax.stop_gradient(psi) / jnp.inf).astype(jnp.int32)
    # per-graph k/v rows gathered to per-atom via batch_segments
    k = Wk[idx][batch_segments]
    v = Wv[idx][batch_segments]
    q_x_k = jnp.sum(q * k, axis=-1) / sqrt_dim
    y = jax.nn.softplus(q_x_k)
    num_segments_static = psi.shape[0]
    denominator = jax.ops.segment_sum(y, batch_segments, num_segments=num_segments_static) + eps + 0.0 * num_graphs
    att = psi[batch_segments] * y / denominator[batch_segments]
    v_att = att[:, None] * v
    # mlp = SiLU -> Linear -> SiLU -> Linear (no biases)
    h = jax.nn.silu(v_att) @ W1.T
    h = jax.nn.silu(h) @ W2.T
    e_psi = v_att + h
    return e_psi

if __name__ == "__main__":
    import jax
    _d = setup_inputs()
    print(jax.jit(kernel)(*tuple(_d.values())))

</pallas_src>

<mosaic_0001>
#map = affine_map<(d0, d1) -> (0)>
#map1 = affine_map<(d0, d1) -> (0, 0)>
module attributes {stable_mosaic.version = 14 : i64} {
  func.func @_partials_sc(%arg0: i32, %arg1: i32, %arg2: memref<100352xf32, #tpu.memory_space<hbm>>, %arg3: memref<100352xi32, #tpu.memory_space<hbm>>, %arg4: memref<16x1040xf32, #tpu.memory_space<hbm>>, %arg5: memref<6272xf32, #tpu.memory_space<vmem>>, %arg6: memref<6272xi32, #tpu.memory_space<vmem>>, %arg7: memref<1040xf32, #tpu.memory_space<vmem>>, %arg8: memref<1040xf32, #tpu.memory_space<vmem>>) attributes {dimension_semantics = [#tpu.dimension_semantics<core_parallel>, #tpu.dimension_semantics<subcore_parallel>], iteration_bounds = array<i64: 1, 16>, scalar_prefetch = 0 : i64, scratch_operands = 4 : i64, tpu.core_type = #tpu.core_type<sc_vector_subcore>, window_params = [{transform_indices = #map}, {transform_indices = #map}, {transform_indices = #map1}]} {
    %mul3A = arith.constant 6272 : i32
    %mul3A_0 = arith.muli %arg1, %mul3A : i32
    "tpu.region"() ({
      %run_scoped3A = tpu.sem_alloc : memref<!tpu.dma_semaphore, #tpu.memory_space<semaphore_mem>>
      %dma_start3A = tpu.memref_slice %arg2[%mul3A_0] : memref<100352xf32, #tpu.memory_space<hbm>> -> memref<6272xf32, #tpu.memory_space<hbm>>
      %dma_start3A_19 = tpu.memref_slice %arg2[%mul3A_0] : memref<100352xf32, #tpu.memory_space<hbm>> -> memref<6272xf32, #tpu.memory_space<hbm>>
      tpu.enqueue_dma source(%dma_start3A_19 : memref<6272xf32, #tpu.memory_space<hbm>>) target(%arg5 : memref<6272xf32, #tpu.memory_space<vmem>>) target_semaphore(%run_scoped3A : memref<!tpu.dma_semaphore, #tpu.memory_space<semaphore_mem>>)
      %dma_wait3A = tpu.memref_slice %arg2[%mul3A_0] : memref<100352xf32, #tpu.memory_space<hbm>> -> memref<6272xf32, #tpu.memory_space<hbm>>
      %dma_wait3A_20 = tpu.memref_slice %arg2[%mul3A_0] : memref<100352xf32, #tpu.memory_space<hbm>> -> memref<6272xf32, #tpu.memory_space<hbm>>
      tpu.wait_dma2 semaphore(%run_scoped3A : memref<!tpu.dma_semaphore, #tpu.memory_space<semaphore_mem>>) src(%dma_wait3A_20 : memref<6272xf32, #tpu.memory_space<hbm>>) dst(%arg5 : memref<6272xf32, #tpu.memory_space<vmem>>)
      tpu.yield
    }) : () -> ()
    "tpu.region"() ({
      %run_scoped3A = tpu.sem_alloc : memref<!tpu.dma_semaphore, #tpu.memory_space<semaphore_mem>>
      %dma_start3A = tpu.memref_slice %arg3[%mul3A_0] : memref<100352xi32, #tpu.memory_space<hbm>> -> memref<6272xi32, #tpu.memory_space<hbm>>
      %dma_start3A_19 = tpu.memref_slice %arg3[%mul3A_0] : memref<100352xi32, #tpu.memory_space<hbm>> -> memref<6272xi32, #tpu.memory_space<hbm>>
      tpu.enqueue_dma source(%dma_start3A_19 : memref<6272xi32, #tpu.memory_space<hbm>>) target(%arg6 : memref<6272xi32, #tpu.memory_space<vmem>>) target_semaphore(%run_scoped3A : memref<!tpu.dma_semaphore, #tpu.memory_space<semaphore_mem>>)
      %dma_wait3A = tpu.memref_slice %arg3[%mul3A_0] : memref<100352xi32, #tpu.memory_space<hbm>> -> memref<6272xi32, #tpu.memory_space<hbm>>
      %dma_wait3A_20 = tpu.memref_slice %arg3[%mul3A_0] : memref<100352xi32, #tpu.memory_space<hbm>> -> memref<6272xi32, #tpu.memory_space<hbm>>
      tpu.wait_dma2 semaphore(%run_scoped3A : memref<!tpu.dma_semaphore, #tpu.memory_space<semaphore_mem>>) src(%dma_wait3A_20 : memref<6272xi32, #tpu.memory_space<hbm>>) dst(%arg6 : memref<6272xi32, #tpu.memory_space<vmem>>)
      tpu.yield
    }) : () -> ()
    %broadcast_in_dim3A = arith.constant 0.000000e+00 : f32
    %broadcast_in_dim3A_1 = vector.broadcast %broadcast_in_dim3A : f32 to vector<16xf32>
    %scan3A = arith.constant 0 : i32
    %scan3A_2 = arith.constant 0 : i32
    %scan3A_3 = arith.constant 65 : i32
    %scan3A_4 = arith.addi %scan3A_2, %scan3A_3 : i32
    %scan3A_5 = arith.constant 1 : i32
    scf.for %scan3A_19 = %scan3A_2 to %scan3A_4 step %scan3A_5  : i32 {
      %mul3A_20 = arith.constant 16 : i32
      %mul3A_21 = arith.muli %scan3A_19, %mul3A_20 : i32
      %swap3A = arith.index_cast %mul3A_21 : i32 to index
      %swap3A_22 = tpu.vector_load %arg7[%swap3A] {strides = array<i32>} : memref<1040xf32, #tpu.memory_space<vmem>>, vector<16xf32>,
      tpu.vector_store %arg7[%swap3A], %broadcast_in_dim3A_1 {strides = array<i32>} : memref<1040xf32, #tpu.memory_space<vmem>>, vector<16xf32>,
    }
    %scan3A_6 = arith.constant 65 : i32
    %scan3A_7 = arith.constant 0 : i32
    %scan3A_8 = arith.constant 0 : i32
    %scan3A_9 = arith.constant 98 : i32
    %scan3A_10 = arith.addi %scan3A_8, %scan3A_9 : i32
    %scan3A_11 = arith.constant 1 : i32
    scf.for %scan3A_19 = %scan3A_8 to %scan3A_10 step %scan3A_11  : i32 {
      %mul3A_20 = arith.constant 4 : i32
      %mul3A_21 = arith.muli %scan3A_19, %mul3A_20 : i32
      %add3A = arith.constant 0 : i32
      %add3A_22 = arith.addi %mul3A_21, %add3A : i32
      %mul3A_23 = arith.constant 16 : i32
      %mul3A_24 = arith.muli %add3A_22, %mul3A_23 : i32
      %get3A = arith.index_cast %mul3A_24 : i32 to index
      %get3A_25 = tpu.vector_load %arg6[%get3A] {strides = array<i32>} : memref<6272xi32, #tpu.memory_space<vmem>>, vector<16xi32>,
      %get3A_26 = arith.index_cast %mul3A_24 : i32 to index
      %get3A_27 = tpu.vector_load %arg5[%get3A_26] {strides = array<i32>} : memref<6272xf32, #tpu.memory_space<vmem>>, vector<16xf32>,
      tpu.vector_store_idx %arg7[%get3A_25], %get3A_27 {add = true} : memref<1040xf32, #tpu.memory_space<vmem>>[vector<16xi32>], vector<16xf32>,
      %mul3A_28 = arith.constant 4 : i32
      %mul3A_29 = arith.muli %scan3A_19, %mul3A_28 : i32
      %add3A_30 = arith.constant 1 : i32
      %add3A_31 = arith.addi %mul3A_29, %add3A_30 : i32
      %mul3A_32 = arith.constant 16 : i32
      %mul3A_33 = arith.muli %add3A_31, %mul3A_32 : i32
      %get3A_34 = arith.index_cast %mul3A_33 : i32 to index
      %get3A_35 = tpu.vector_load %arg6[%get3A_34] {strides = array<i32>} : memref<6272xi32, #tpu.memory_space<vmem>>, vector<16xi32>,
      %get3A_36 = arith.index_cast %mul3A_33 : i32 to index
      %get3A_37 = tpu.vector_load %arg5[%get3A_36] {strides = array<i32>} : memref<6272xf32, #tpu.memory_space<vmem>>, vector<16xf32>,
      tpu.vector_store_idx %arg7[%get3A_35], %get3A_37 {add = true} : memref<1040xf32, #tpu.memory_space<vmem>>[vector<16xi32>], vector<16xf32>,
      %mul3A_38 = arith.constant 4 : i32
      %mul3A_39 = arith.muli %scan3A_19, %mul3A_38 : i32
      %add3A_40 = arith.constant 2 : i32
      %add3A_41 = arith.addi %mul3A_39, %add3A_40 : i32
      %mul3A_42 = arith.constant 16 : i32
      %mul3A_43 = arith.muli %add3A_41, %mul3A_42 : i32
      %get3A_44 = arith.index_cast %mul3A_43 : i32 to index
      %get3A_45 = tpu.vector_load %arg6[%get3A_44] {strides = array<i32>} : memref<6272xi32, #tpu.memory_space<vmem>>, vector<16xi32>,
      %get3A_46 = arith.index_cast %mul3A_43 : i32 to index
      %get3A_47 = tpu.vector_load %arg5[%get3A_46] {strides = array<i32>} : memref<6272xf32, #tpu.memory_space<vmem>>, vector<16xf32>,
      tpu.vector_store_idx %arg7[%get3A_45], %get3A_47 {add = true} : memref<1040xf32, #tpu.memory_space<vmem>>[vector<16xi32>], vector<16xf32>,
      %mul3A_48 = arith.constant 4 : i32
      %mul3A_49 = arith.muli %scan3A_19, %mul3A_48 : i32
      %add3A_50 = arith.constant 3 : i32
      %add3A_51 = arith.addi %mul3A_49, %add3A_50 : i32
      %mul3A_52 = arith.constant 16 : i32
      %mul3A_53 = arith.muli %add3A_51, %mul3A_52 : i32
      %get3A_54 = arith.index_cast %mul3A_53 : i32 to index
      %get3A_55 = tpu.vector_load %arg6[%get3A_54] {strides = array<i32>} : memref<6272xi32, #tpu.memory_space<vmem>>, vector<16xi32>,
      %get3A_56 = arith.index_cast %mul3A_53 : i32 to index
      %get3A_57 = tpu.vector_load %arg5[%get3A_56] {strides = array<i32>} : memref<6272xf32, #tpu.memory_space<vmem>>, vector<16xf32>,
      tpu.vector_store_idx %arg7[%get3A_55], %get3A_57 {add = true} : memref<1040xf32, #tpu.memory_space<vmem>>[vector<16xi32>], vector<16xf32>,
    }
    %scan3A_12 = arith.constant 98 : i32
    %scan3A_13 = arith.constant 0 : i32
    %scan3A_14 = arith.constant 0 : i32
    %scan3A_15 = arith.constant 65 : i32
    %scan3A_16 = arith.addi %scan3A_14, %scan3A_15 : i32
    %scan3A_17 = arith.constant 1 : i32
    scf.for %scan3A_19 = %scan3A_14 to %scan3A_16 step %scan3A_17  : i32 {
      %mul3A_20 = arith.constant 16 : i32
      %mul3A_21 = arith.muli %scan3A_19, %mul3A_20 : i32
      %get3A = arith.index_cast %mul3A_21 : i32 to index
      %get3A_22 = tpu.vector_load %arg7[%get3A] {strides = array<i32>} : memref<1040xf32, #tpu.memory_space<vmem>>, vector<16xf32>,
      %mul3A_23 = arith.constant 16 : i32
      %mul3A_24 = arith.muli %scan3A_19, %mul3A_23 : i32
      %swap3A = arith.index_cast %mul3A_24 : i32 to index
      %swap3A_25 = tpu.vector_load %arg8[%swap3A] {strides = array<i32>} : memref<1040xf32, #tpu.memory_space<vmem>>, vector<16xf32>,
      tpu.vector_store %arg8[%swap3A], %get3A_22 {strides = array<i32>} : memref<1040xf32, #tpu.memory_space<vmem>>, vector<16xf32>,
    }
    %scan3A_18 = arith.constant 65 : i32
    "tpu.region"() ({
      %run_scoped3A = tpu.sem_alloc : memref<!tpu.dma_semaphore, #tpu.memory_space<semaphore_mem>>
      %dma_start3A = arith.constant 0 : i32
      %dma_start3A_19 = tpu.memref_slice %arg4[%arg1, %dma_start3A] : memref<16x1040xf32, #tpu.memory_space<hbm>> -> memref<1x1040xf32, #tpu.memory_space<hbm>>
      %dma_start3A_20 = tpu.memref_squeeze %dma_start3A_19 : memref<1x1040xf32, #tpu.memory_space<hbm>> -> memref<1040xf32, #tpu.memory_space<hbm>>
      %dma_start3A_21 = arith.constant 0 : i32
      %dma_start3A_22 = tpu.memref_slice %arg4[%arg1, %dma_start3A_21] : memref<16x1040xf32, #tpu.memory_space<hbm>> -> memref<1x1040xf32, #tpu.memory_space<hbm>>
      %dma_start3A_23 = tpu.memref_squeeze %dma_start3A_22 : memref<1x1040xf32, #tpu.memory_space<hbm>> -> memref<1040xf32, #tpu.memory_space<hbm>>
      tpu.enqueue_dma source(%arg8 : memref<1040xf32, #tpu.memory_space<vmem>>) target(%dma_start3A_23 : memref<1040xf32, #tpu.memory_space<hbm>>) target_semaphore(%run_scoped3A : memref<!tpu.dma_semaphore, #tpu.memory_space<semaphore_mem>>)
      %dma_wait3A = arith.constant 0 : i32
      %dma_wait3A_24 = tpu.memref_slice %arg4[%arg1, %dma_wait3A] : memref<16x1040xf32, #tpu.memory_space<hbm>> -> memref<1x1040xf32, #tpu.memory_space<hbm>>
      %dma_wait3A_25 = tpu.memref_squeeze %dma_wait3A_24 : memref<1x1040xf32, #tpu.memory_space<hbm>> -> memref<1040xf32, #tpu.memory_space<hbm>>
      %dma_wait3A_26 = arith.constant 0 : i32
      %dma_wait3A_27 = tpu.memref_slice %arg4[%arg1, %dma_wait3A_26] : memref<16x1040xf32, #tpu.memory_space<hbm>> -> memref<1x1040xf32, #tpu.memory_space<hbm>>
      %dma_wait3A_28 = tpu.memref_squeeze %dma_wait3A_27 : memref<1x1040xf32, #tpu.memory_space<hbm>> -> memref<1040xf32, #tpu.memory_space<hbm>>
      tpu.wait_dma2 semaphore(%run_scoped3A : memref<!tpu.dma_semaphore, #tpu.memory_space<semaphore_mem>>) src(%arg8 : memref<1040xf32, #tpu.memory_space<vmem>>) dst(%dma_wait3A_28 : memref<1040xf32, #tpu.memory_space<hbm>>)
      tpu.yield
    }) : () -> ()
    return
  }
}

#map = affine_map<(d0, d1) -> (0, 0)>
#map1 = affine_map<(d0, d1) -> (0)>
module attributes {stable_mosaic.version = 14 : i64} {
  func.func @_att_sc(%arg0: i32, %arg1: i32, %arg2: memref<16x1040xf32, #tpu.memory_space<hbm>>, %arg3: memref<1024xf32, #tpu.memory_space<hbm>>, %arg4: memref<100352xf32, #tpu.memory_space<hbm>>, %arg5: memref<100352xi32, #tpu.memory_space<hbm>>, %arg6: memref<100352xf32, #tpu.memory_space<hbm>>, %arg7: memref<16x1040xf32, #tpu.memory_space<vmem>>, %arg8: memref<1024xf32, #tpu.memory_space<vmem>>, %arg9: memref<1040xf32, #tpu.memory_space<vmem>>, %arg10: memref<6272xf32, #tpu.memory_space<vmem>>, %arg11: memref<6272xi32, #tpu.memory_space<vmem>>) attributes {dimension_semantics = [#tpu.dimension_semantics<core_parallel>, #tpu.dimension_semantics<subcore_parallel>], iteration_bounds = array<i64: 1, 16>, scalar_prefetch = 0 : i64, scratch_operands = 5 : i64, tpu.core_type = #tpu.core_type<sc_vector_subcore>, window_params = [{transform_indices = #map}, {transform_indices = #map1}, {transform_indices = #map1}, {transform_indices = #map1}, {transform_indices = #map1}]} {
    %mul3A = arith.constant 6272 : i32
    %mul3A_0 = arith.muli %arg1, %mul3A : i32
    "tpu.region"() ({
      %run_scoped3A = tpu.sem_alloc : memref<!tpu.dma_semaphore, #tpu.memory_space<semaphore_mem>>
      tpu.enqueue_dma source(%arg2 : memref<16x1040xf32, #tpu.memory_space<hbm>>) target(%arg7 : memref<16x1040xf32, #tpu.memory_space<vmem>>) target_semaphore(%run_scoped3A : memref<!tpu.dma_semaphore, #tpu.memory_space<semaphore_mem>>)
      tpu.wait_dma2 semaphore(%run_scoped3A : memref<!tpu.dma_semaphore, #tpu.memory_space<semaphore_mem>>) src(%arg2 : memref<16x1040xf32, #tpu.memory_space<hbm>>) dst(%arg7 : memref<16x1040xf32, #tpu.memory_space<vmem>>)
      tpu.yield
    }) : () -> ()
    "tpu.region"() ({
      %run_scoped3A = tpu.sem_alloc : memref<!tpu.dma_semaphore, #tpu.memory_space<semaphore_mem>>
      tpu.enqueue_dma source(%arg3 : memref<1024xf32, #tpu.memory_space<hbm>>) target(%arg8 : memref<1024xf32, #tpu.memory_space<vmem>>) target_semaphore(%run_scoped3A : memref<!tpu.dma_semaphore, #tpu.memory_space<semaphore_mem>>)
      tpu.wait_dma2 semaphore(%run_scoped3A : memref<!tpu.dma_semaphore, #tpu.memory_space<semaphore_mem>>) src(%arg3 : memref<1024xf32, #tpu.memory_space<hbm>>) dst(%arg8 : memref<1024xf32, #tpu.memory_space<vmem>>)
      tpu.yield
    }) : () -> ()
    "tpu.region"() ({
      %run_scoped3A = tpu.sem_alloc : memref<!tpu.dma_semaphore, #tpu.memory_space<semaphore_mem>>
      %dma_start3A = tpu.memref_slice %arg4[%mul3A_0] : memref<100352xf32, #tpu.memory_space<hbm>> -> memref<6272xf32, #tpu.memory_space<hbm>>
      %dma_start3A_14 = tpu.memref_slice %arg4[%mul3A_0] : memref<100352xf32, #tpu.memory_space<hbm>> -> memref<6272xf32, #tpu.memory_space<hbm>>
      tpu.enqueue_dma source(%dma_start3A_14 : memref<6272xf32, #tpu.memory_space<hbm>>) target(%arg10 : memref<6272xf32, #tpu.memory_space<vmem>>) target_semaphore(%run_scoped3A : memref<!tpu.dma_semaphore, #tpu.memory_space<semaphore_mem>>)
      %dma_wait3A = tpu.memref_slice %arg4[%mul3A_0] : memref<100352xf32, #tpu.memory_space<hbm>> -> memref<6272xf32, #tpu.memory_space<hbm>>
      %dma_wait3A_15 = tpu.memref_slice %arg4[%mul3A_0] : memref<100352xf32, #tpu.memory_space<hbm>> -> memref<6272xf32, #tpu.memory_space<hbm>>
      tpu.wait_dma2 semaphore(%run_scoped3A : memref<!tpu.dma_semaphore, #tpu.memory_space<semaphore_mem>>) src(%dma_wait3A_15 : memref<6272xf32, #tpu.memory_space<hbm>>) dst(%arg10 : memref<6272xf32, #tpu.memory_space<vmem>>)
      tpu.yield
    }) : () -> ()
    "tpu.region"() ({
      %run_scoped3A = tpu.sem_alloc : memref<!tpu.dma_semaphore, #tpu.memory_space<semaphore_mem>>
      %dma_start3A = tpu.memref_slice %arg5[%mul3A_0] : memref<100352xi32, #tpu.memory_space<hbm>> -> memref<6272xi32, #tpu.memory_space<hbm>>
      %dma_start3A_14 = tpu.memref_slice %arg5[%mul3A_0] : memref<100352xi32, #tpu.memory_space<hbm>> -> memref<6272xi32, #tpu.memory_space<hbm>>
      tpu.enqueue_dma source(%dma_start3A_14 : memref<6272xi32, #tpu.memory_space<hbm>>) target(%arg11 : memref<6272xi32, #tpu.memory_space<vmem>>) target_semaphore(%run_scoped3A : memref<!tpu.dma_semaphore, #tpu.memory_space<semaphore_mem>>)
      %dma_wait3A = tpu.memref_slice %arg5[%mul3A_0] : memref<100352xi32, #tpu.memory_space<hbm>> -> memref<6272xi32, #tpu.memory_space<hbm>>
      %dma_wait3A_15 = tpu.memref_slice %arg5[%mul3A_0] : memref<100352xi32, #tpu.memory_space<hbm>> -> memref<6272xi32, #tpu.memory_space<hbm>>
      tpu.wait_dma2 semaphore(%run_scoped3A : memref<!tpu.dma_semaphore, #tpu.memory_space<semaphore_mem>>) src(%dma_wait3A_15 : memref<6272xi32, #tpu.memory_space<hbm>>) dst(%arg11 : memref<6272xi32, #tpu.memory_space<vmem>>)
      tpu.yield
    }) : () -> ()
    %scan3A = arith.constant 0 : i32
    %scan3A_1 = arith.constant 0 : i32
    %scan3A_2 = arith.constant 64 : i32
    %scan3A_3 = arith.addi %scan3A_1, %scan3A_2 : i32
    %scan3A_4 = arith.constant 1 : i32
    scf.for %scan3A_14 = %scan3A_1 to %scan3A_3 step %scan3A_4  : i32 {
      %mul3A_15 = arith.constant 16 : i32
      %mul3A_16 = arith.muli %scan3A_14, %mul3A_15 : i32
      %get3A = arith.constant 0 : i32
      %get3A_17 = arith.index_cast %get3A : i32 to index
      %get3A_18 = arith.index_cast %mul3A_16 : i32 to index
      %get3A_19 = tpu.vector_load %arg7[%get3A_17, %get3A_18] {strides = array<i32>} : memref<16x1040xf32, #tpu.memory_space<vmem>>, vector<16xf32>,
      %mul3A_20 = arith.constant 16 : i32
      %mul3A_21 = arith.muli %scan3A_14, %mul3A_20 : i32
      %get3A_22 = arith.constant 1 : i32
      %get3A_23 = arith.index_cast %get3A_22 : i32 to index
      %get3A_24 = arith.index_cast %mul3A_21 : i32 to index
      %get3A_25 = tpu.vector_load %arg7[%get3A_23, %get3A_24] {strides = array<i32>} : memref<16x1040xf32, #tpu.memory_space<vmem>>, vector<16xf32>,
      %add3A = arith.addf %get3A_19, %get3A_25 : vector<16xf32>
      %mul3A_26 = arith.constant 16 : i32
      %mul3A_27 = arith.muli %scan3A_14, %mul3A_26 : i32
      %get3A_28 = arith.constant 2 : i32
      %get3A_29 = arith.index_cast %get3A_28 : i32 to index
      %get3A_30 = arith.index_cast %mul3A_27 : i32 to index
      %get3A_31 = tpu.vector_load %arg7[%get3A_29, %get3A_30] {strides = array<i32>} : memref<16x1040xf32, #tpu.memory_space<vmem>>, vector<16xf32>,
      %add3A_32 = arith.addf %add3A, %get3A_31 : vector<16xf32>
      %mul3A_33 = arith.constant 16 : i32
      %mul3A_34 = arith.muli %scan3A_14, %mul3A_33 : i32
      %get3A_35 = arith.constant 3 : i32
      %get3A_36 = arith.index_cast %get3A_35 : i32 to index
      %get3A_37 = arith.index_cast %mul3A_34 : i32 to index
      %get3A_38 = tpu.vector_load %arg7[%get3A_36, %get3A_37] {strides = array<i32>} : memref<16x1040xf32, #tpu.memory_space<vmem>>, vector<16xf32>,
      %add3A_39 = arith.addf %add3A_32, %get3A_38 : vector<16xf32>
      %mul3A_40 = arith.constant 16 : i32
      %mul3A_41 = arith.muli %scan3A_14, %mul3A_40 : i32
      %get3A_42 = arith.constant 4 : i32
      %get3A_43 = arith.index_cast %get3A_42 : i32 to index
      %get3A_44 = arith.index_cast %mul3A_41 : i32 to index
      %get3A_45 = tpu.vector_load %arg7[%get3A_43, %get3A_44] {strides = array<i32>} : memref<16x1040xf32, #tpu.memory_space<vmem>>, vector<16xf32>,
      %add3A_46 = arith.addf %add3A_39, %get3A_45 : vector<16xf32>
      %mul3A_47 = arith.constant 16 : i32
      %mul3A_48 = arith.muli %scan3A_14, %mul3A_47 : i32
      %get3A_49 = arith.constant 5 : i32
      %get3A_50 = arith.index_cast %get3A_49 : i32 to index
      %get3A_51 = arith.index_cast %mul3A_48 : i32 to index
      %get3A_52 = tpu.vector_load %arg7[%get3A_50, %get3A_51] {strides = array<i32>} : memref<16x1040xf32, #tpu.memory_space<vmem>>, vector<16xf32>,
      %add3A_53 = arith.addf %add3A_46, %get3A_52 : vector<16xf32>
      %mul3A_54 = arith.constant 16 : i32
      %mul3A_55 = arith.muli %scan3A_14, %mul3A_54 : i32
      %get3A_56 = arith.constant 6 : i32
      %get3A_57 = arith.index_cast %get3A_56 : i32 to index
      %get3A_58 = arith.index_cast %mul3A_55 : i32 to index
      %get3A_59 = tpu.vector_load %arg7[%get3A_57, %get3A_58] {strides = array<i32>} : memref<16x1040xf32, #tpu.memory_space<vmem>>, vector<16xf32>,
      %add3A_60 = arith.addf %add3A_53, %get3A_59 : vector<16xf32>
      %mul3A_61 = arith.constant 16 : i32
      %mul3A_62 = arith.muli %scan3A_14, %mul3A_61 : i32
      %get3A_63 = arith.constant 7 : i32
      %get3A_64 = arith.index_cast %get3A_63 : i32 to index
      %get3A_65 = arith.index_cast %mul3A_62 : i32 to index
      %get3A_66 = tpu.vector_load %arg7[%get3A_64, %get3A_65] {strides = array<i32>} : memref<16x1040xf32, #tpu.memory_space<vmem>>, vector<16xf32>,
      %add3A_67 = arith.addf %add3A_60, %get3A_66 : vector<16xf32>
      %mul3A_68 = arith.constant 16 : i32
      %mul3A_69 = arith.muli %scan3A_14, %mul3A_68 : i32
      %get3A_70 = arith.constant 8 : i32
      %get3A_71 = arith.index_cast %get3A_70 : i32 to index
      %get3A_72 = arith.index_cast %mul3A_69 : i32 to index
      %get3A_73 = tpu.vector_load %arg7[%get3A_71, %get3A_72] {strides = array<i32>} : memref<16x1040xf32, #tpu.memory_space<vmem>>, vector<16xf32>,
      %add3A_74 = arith.addf %add3A_67, %get3A_73 : vector<16xf32>
      %mul3A_75 = arith.constant 16 : i32
      %mul3A_76 = arith.muli %scan3A_14, %mul3A_75 : i32
      %get3A_77 = arith.constant 9 : i32
      %get3A_78 = arith.index_cast %get3A_77 : i32 to index
      %get3A_79 = arith.index_cast %mul3A_76 : i32 to index
      %get3A_80 = tpu.vector_load %arg7[%get3A_78, %get3A_79] {strides = array<i32>} : memref<16x1040xf32, #tpu.memory_space<vmem>>, vector<16xf32>,
      %add3A_81 = arith.addf %add3A_74, %get3A_80 : vector<16xf32>
      %mul3A_82 = arith.constant 16 : i32
      %mul3A_83 = arith.muli %scan3A_14, %mul3A_82 : i32
      %get3A_84 = arith.constant 10 : i32
      %get3A_85 = arith.index_cast %get3A_84 : i32 to index
      %get3A_86 = arith.index_cast %mul3A_83 : i32 to index
      %get3A_87 = tpu.vector_load %arg7[%get3A_85, %get3A_86] {strides = array<i32>} : memref<16x1040xf32, #tpu.memory_space<vmem>>, vector<16xf32>,
      %add3A_88 = arith.addf %add3A_81, %get3A_87 : vector<16xf32>
      %mul3A_89 = arith.constant 16 : i32
      %mul3A_90 = arith.muli %scan3A_14, %mul3A_89 : i32
      %get3A_91 = arith.constant 11 : i32
      %get3A_92 = arith.index_cast %get3A_91 : i32 to index
      %get3A_93 = arith.index_cast %mul3A_90 : i32 to index
      %get3A_94 = tpu.vector_load %arg7[%get3A_92, %get3A_93] {strides = array<i32>} : memref<16x1040xf32, #tpu.memory_space<vmem>>, vector<16xf32>,
      %add3A_95 = arith.addf %add3A_88, %get3A_94 : vector<16xf32>
      %mul3A_96 = arith.constant 16 : i32
      %mul3A_97 = arith.muli %scan3A_14, %mul3A_96 : i32
      %get3A_98 = arith.constant 12 : i32
      %get3A_99 = arith.index_cast %get3A_98 : i32 to index
      %get3A_100 = arith.index_cast %mul3A_97 : i32 to index
      %get3A_101 = tpu.vector_load %arg7[%get3A_99, %get3A_100] {strides = array<i32>} : memref<16x1040xf32, #tpu.memory_space<vmem>>, vector<16xf32>,
      %add3A_102 = arith.addf %add3A_95, %get3A_101 : vector<16xf32>
      %mul3A_103 = arith.constant 16 : i32
      %mul3A_104 = arith.muli %scan3A_14, %mul3A_103 : i32
      %get3A_105 = arith.constant 13 : i32
      %get3A_106 = arith.index_cast %get3A_105 : i32 to index
      %get3A_107 = arith.index_cast %mul3A_104 : i32 to index
      %get3A_108 = tpu.vector_load %arg7[%get3A_106, %get3A_107] {strides = array<i32>} : memref<16x1040xf32, #tpu.memory_space<vmem>>, vector<16xf32>,
      %add3A_109 = arith.addf %add3A_102, %get3A_108 : vector<16xf32>
      %mul3A_110 = arith.constant 16 : i32
      %mul3A_111 = arith.muli %scan3A_14, %mul3A_110 : i32
      %get3A_112 = arith.constant 14 : i32
      %get3A_113 = arith.index_cast %get3A_112 : i32 to index
      %get3A_114 = arith.index_cast %mul3A_111 : i32 to index
      %get3A_115 = tpu.vector_load %arg7[%get3A_113, %get3A_114] {strides = array<i32>} : memref<16x1040xf32, #tpu.memory_space<vmem>>, vector<16xf32>,
      %add3A_116 = arith.addf %add3A_109, %get3A_115 : vector<16xf32>
      %mul3A_117 = arith.constant 16 : i32
      %mul3A_118 = arith.muli %scan3A_14, %mul3A_117 : i32
      %get3A_119 = arith.constant 15 : i32
      %get3A_120 = arith.index_cast %get3A_119 : i32 to index
      %get3A_121 = arith.index_cast %mul3A_118 : i32 to index
      %get3A_122 = tpu.vector_load %arg7[%get3A_120, %get3A_121] {strides = array<i32>} : memref<16x1040xf32, #tpu.memory_space<vmem>>, vector<16xf32>,
      %add3A_123 = arith.addf %add3A_116, %get3A_122 : vector<16xf32>
      %mul3A_124 = arith.constant 16 : i32
      %mul3A_125 = arith.muli %scan3A_14, %mul3A_124 : i32
      %get3A_126 = arith.index_cast %mul3A_125 : i32 to index
      %get3A_127 = tpu.vector_load %arg8[%get3A_126] {strides = array<i32>} : memref<1024xf32, #tpu.memory_space<vmem>>, vector<16xf32>,
      %add3A_128 = arith.constant 9.99999997E-7 : f32
      %add3A_129 = vector.broadcast %add3A_128 : f32 to vector<16xf32>
      %add3A_130 = arith.addf %add3A_123, %add3A_129 : vector<16xf32>
      %div3A = arith.divf %get3A_127, %add3A_130 : vector<16xf32>
      %mul3A_131 = arith.constant 16 : i32
      %mul3A_132 = arith.muli %scan3A_14, %mul3A_131 : i32
      %swap3A_133 = arith.index_cast %mul3A_132 : i32 to index
      %swap3A_134 = tpu.vector_load %arg9[%swap3A_133] {strides = array<i32>} : memref<1040xf32, #tpu.memory_space<vmem>>, vector<16xf32>,
      tpu.vector_store %arg9[%swap3A_133], %div3A {strides = array<i32>} : memref<1040xf32, #tpu.memory_space<vmem>>, vector<16xf32>,
    }
    %scan3A_5 = arith.constant 64 : i32
    %broadcast_in_dim3A = arith.constant 0.000000e+00 : f32
    %broadcast_in_dim3A_6 = vector.broadcast %broadcast_in_dim3A : f32 to vector<16xf32>
    %swap3A = arith.constant 1024 : index
    %swap3A_7 = tpu.vector_load %arg9[%swap3A] {strides = array<i32>} : memref<1040xf32, #tpu.memory_space<vmem>>, vector<16xf32>,
    tpu.vector_store %arg9[%swap3A], %broadcast_in_dim3A_6 {strides = array<i32>} : memref<1040xf32, #tpu.memory_space<vmem>>, vector<16xf32>,
    %scan3A_8 = arith.constant 0 : i32
    %scan3A_9 = arith.constant 0 : i32
    %scan3A_10 = arith.constant 98 : i32
    %scan3A_11 = arith.addi %scan3A_9, %scan3A_10 : i32
    %scan3A_12 = arith.constant 1 : i32
    scf.for %scan3A_14 = %scan3A_9 to %scan3A_11 step %scan3A_12  : i32 {
      %mul3A_15 = arith.constant 4 : i32
      %mul3A_16 = arith.muli %scan3A_14, %mul3A_15 : i32
      %add3A = arith.constant 0 : i32
      %add3A_17 = arith.addi %mul3A_16, %add3A : i32
      %mul3A_18 = arith.constant 16 : i32
      %mul3A_19 = arith.muli %add3A_17, %mul3A_18 : i32
      %get3A = arith.index_cast %mul3A_19 : i32 to index
      %get3A_20 = tpu.vector_load %arg11[%get3A] {strides = array<i32>} : memref<6272xi32, #tpu.memory_space<vmem>>, vector<16xi32>,
      %gather3A = tpu.vector_load_idx %arg9[%get3A_20] : memref<1040xf32, #tpu.memory_space<vmem>>[vector<16xi32>], vector<16xf32>,
      %get3A_21 = arith.index_cast %mul3A_19 : i32 to index
      %get3A_22 = tpu.vector_load %arg10[%get3A_21] {strides = array<i32>} : memref<6272xf32, #tpu.memory_space<vmem>>, vector<16xf32>,
      %mul3A_23 = arith.mulf %gather3A, %get3A_22 : vector<16xf32>
      %swap3A_24 = arith.index_cast %mul3A_19 : i32 to index
      %swap3A_25 = tpu.vector_load %arg10[%swap3A_24] {strides = array<i32>} : memref<6272xf32, #tpu.memory_space<vmem>>, vector<16xf32>,
      tpu.vector_store %arg10[%swap3A_24], %mul3A_23 {strides = array<i32>} : memref<6272xf32, #tpu.memory_space<vmem>>, vector<16xf32>,
      %mul3A_26 = arith.constant 4 : i32
      %mul3A_27 = arith.muli %scan3A_14, %mul3A_26 : i32
      %add3A_28 = arith.constant 1 : i32
      %add3A_29 = arith.addi %mul3A_27, %add3A_28 : i32
      %mul3A_30 = arith.constant 16 : i32
      %mul3A_31 = arith.muli %add3A_29, %mul3A_30 : i32
      %get3A_32 = arith.index_cast %mul3A_31 : i32 to index
      %get3A_33 = tpu.vector_load %arg11[%get3A_32] {strides = array<i32>} : memref<6272xi32, #tpu.memory_space<vmem>>, vector<16xi32>,
      %gather3A_34 = tpu.vector_load_idx %arg9[%get3A_33] : memref<1040xf32, #tpu.memory_space<vmem>>[vector<16xi32>], vector<16xf32>,
      %get3A_35 = arith.index_cast %mul3A_31 : i32 to index
      %get3A_36 = tpu.vector_load %arg10[%get3A_35] {strides = array<i32>} : memref<6272xf32, #tpu.memory_space<vmem>>, vector<16xf32>,
      %mul3A_37 = arith.mulf %gather3A_34, %get3A_36 : vector<16xf32>
      %swap3A_38 = arith.index_cast %mul3A_31 : i32 to index
      %swap3A_39 = tpu.vector_load %arg10[%swap3A_38] {strides = array<i32>} : memref<6272xf32, #tpu.memory_space<vmem>>, vector<16xf32>,
      tpu.vector_store %arg10[%swap3A_38], %mul3A_37 {strides = array<i32>} : memref<6272xf32, #tpu.memory_space<vmem>>, vector<16xf32>,
      %mul3A_40 = arith.constant 4 : i32
      %mul3A_41 = arith.muli %scan3A_14, %mul3A_40 : i32
      %add3A_42 = arith.constant 2 : i32
      %add3A_43 = arith.addi %mul3A_41, %add3A_42 : i32
      %mul3A_44 = arith.constant 16 : i32
      %mul3A_45 = arith.muli %add3A_43, %mul3A_44 : i32
      %get3A_46 = arith.index_cast %mul3A_45 : i32 to index
      %get3A_47 = tpu.vector_load %arg11[%get3A_46] {strides = array<i32>} : memref<6272xi32, #tpu.memory_space<vmem>>, vector<16xi32>,
      %gather3A_48 = tpu.vector_load_idx %arg9[%get3A_47] : memref<1040xf32, #tpu.memory_space<vmem>>[vector<16xi32>], vector<16xf32>,
      %get3A_49 = arith.index_cast %mul3A_45 : i32 to index
      %get3A_50 = tpu.vector_load %arg10[%get3A_49] {strides = array<i32>} : memref<6272xf32, #tpu.memory_space<vmem>>, vector<16xf32>,
      %mul3A_51 = arith.mulf %gather3A_48, %get3A_50 : vector<16xf32>
      %swap3A_52 = arith.index_cast %mul3A_45 : i32 to index
      %swap3A_53 = tpu.vector_load %arg10[%swap3A_52] {strides = array<i32>} : memref<6272xf32, #tpu.memory_space<vmem>>, vector<16xf32>,
      tpu.vector_store %arg10[%swap3A_52], %mul3A_51 {strides = array<i32>} : memref<6272xf32, #tpu.memory_space<vmem>>, vector<16xf32>,
      %mul3A_54 = arith.constant 4 : i32
      %mul3A_55 = arith.muli %scan3A_14, %mul3A_54 : i32
      %add3A_56 = arith.constant 3 : i32
      %add3A_57 = arith.addi %mul3A_55, %add3A_56 : i32
      %mul3A_58 = arith.constant 16 : i32
      %mul3A_59 = arith.muli %add3A_57, %mul3A_58 : i32
      %get3A_60 = arith.index_cast %mul3A_59 : i32 to index
      %get3A_61 = tpu.vector_load %arg11[%get3A_60] {strides = array<i32>} : memref<6272xi32, #tpu.memory_space<vmem>>, vector<16xi32>,
      %gather3A_62 = tpu.vector_load_idx %arg9[%get3A_61] : memref<1040xf32, #tpu.memory_space<vmem>>[vector<16xi32>], vector<16xf32>,
      %get3A_63 = arith.index_cast %mul3A_59 : i32 to index
      %get3A_64 = tpu.vector_load %arg10[%get3A_63] {strides = array<i32>} : memref<6272xf32, #tpu.memory_space<vmem>>, vector<16xf32>,
      %mul3A_65 = arith.mulf %gather3A_62, %get3A_64 : vector<16xf32>
      %swap3A_66 = arith.index_cast %mul3A_59 : i32 to index
      %swap3A_67 = tpu.vector_load %arg10[%swap3A_66] {strides = array<i32>} : memref<6272xf32, #tpu.memory_space<vmem>>, vector<16xf32>,
      tpu.vector_store %arg10[%swap3A_66], %mul3A_65 {strides = array<i32>} : memref<6272xf32, #tpu.memory_space<vmem>>, vector<16xf32>,
    }
    %scan3A_13 = arith.constant 98 : i32
    "tpu.region"() ({
      %run_scoped3A = tpu.sem_alloc : memref<!tpu.dma_semaphore, #tpu.memory_space<semaphore_mem>>
      %dma_start3A = tpu.memref_slice %arg6[%mul3A_0] : memref<100352xf32, #tpu.memory_space<hbm>> -> memref<6272xf32, #tpu.memory_space<hbm>>
      %dma_start3A_14 = tpu.memref_slice %arg6[%mul3A_0] : memref<100352xf32, #tpu.memory_space<hbm>> -> memref<6272xf32, #tpu.memory_space<hbm>>
      tpu.enqueue_dma source(%arg10 : memref<6272xf32, #tpu.memory_space<vmem>>) target(%dma_start3A_14 : memref<6272xf32, #tpu.memory_space<hbm>>) target_semaphore(%run_scoped3A : memref<!tpu.dma_semaphore, #tpu.memory_space<semaphore_mem>>)
      %dma_wait3A = tpu.memref_slice %arg6[%mul3A_0] : memref<100352xf32, #tpu.memory_space<hbm>> -> memref<6272xf32, #tpu.memory_space<hbm>>
      %dma_wait3A_15 = tpu.memref_slice %arg6[%mul3A_0] : memref<100352xf32, #tpu.memory_space<hbm>> -> memref<6272xf32, #tpu.memory_space<hbm>>
      tpu.wait_dma2 semaphore(%run_scoped3A : memref<!tpu.dma_semaphore, #tpu.memory_space<semaphore_mem>>) src(%arg10 : memref<6272xf32, #tpu.memory_space<vmem>>) dst(%dma_wait3A_15 : memref<6272xf32, #tpu.memory_space<hbm>>)
      tpu.yield
    }) : () -> ()
    return
  }
}

module attributes {stable_mosaic.version = 14 : i64} {
  func.func @_y_body(%arg0: i32, %arg1: memref<12544x118xf32, #tpu.memory_space<vmem>>, %arg2: memref<128x118xf32, #tpu.memory_space<vmem>>, %arg3: memref<2x128xf32, #tpu.memory_space<vmem>>, %arg4: memref<12544x1xf32, #tpu.memory_space<vmem>>) attributes {dimension_semantics = [#tpu.dimension_semantics<arbitrary>], iteration_bounds = array<i64: 8>, scalar_prefetch = 0 : i64, scratch_operands = 0 : i64, tpu.core_type = #tpu.core_type<tc>, window_params = [{transform_indices = @transform_0, window_bounds = array<i64: 12544, 118>}, {pipeline_mode = #tpu.pipeline_mode<synchronous>, transform_indices = @transform_1, window_bounds = array<i64: 128, 118>}, {pipeline_mode = #tpu.pipeline_mode<synchronous>, transform_indices = @transform_2, window_bounds = array<i64: 2, 128>}, {transform_indices = @transform_3, window_bounds = array<i64: 12544, 1>}]} {
    %get3A = arith.constant 0 : index
    %get3A_0 = arith.constant 0 : index
    %get3A_1 = vector.load %arg3[%get3A, %get3A_0] : memref<2x128xf32, #tpu.memory_space<vmem>>, vector<1x128xf32>
    %get3A_2 = arith.constant 0 : index
    %get3A_3 = arith.constant 0 : index
    %get3A_4 = vector.load %arg2[%get3A_2, %get3A_3] : memref<128x118xf32, #tpu.memory_space<vmem>>, vector<128x118xf32>
    %dot_general3A = arith.constant dense<0.000000e+00> : vector<1x118xf32>
    %dot_general3A_5 = tpu.matmul %get3A_1, %get3A_4, %dot_general3A {dimension_numbers = #tpu.dot_dimension_numbers<[1], [0], [0], [1], [0, 0, 1, 1], [], []>, transpose_lhs_hint = false} : vector<1x128xf32>, vector<128x118xf32>, vector<1x118xf32> -> vector<1x118xf32>
    %get3A_6 = arith.constant 0 : index
    %get3A_7 = arith.constant 0 : index
    %get3A_8 = vector.load %arg1[%get3A_6, %get3A_7] : memref<12544x118xf32, #tpu.memory_space<vmem>>, vector<12544x118xf32>
    %mul3A = vector.broadcast %dot_general3A_5 : vector<1x118xf32> to vector<12544x118xf32>
    %mul3A_9 = arith.mulf %get3A_8, %mul3A : vector<12544x118xf32>
    %reduce_sum3A = arith.constant dense<0.000000e+00> : vector<12544xf32>
    %reduce_sum3A_10 = vector.multi_reduction <add>, %mul3A_9, %reduce_sum3A [1] : vector<12544x118xf32> to vector<12544xf32>
    %broadcast_in_dim3A = vector.shape_cast %reduce_sum3A_10 : vector<12544xf32> to vector<12544x1xf32>
    %mul3A_11 = arith.constant 0.0883883461 : f32
    %mul3A_12 = vector.broadcast %mul3A_11 : f32 to vector<12544x1xf32>
    %mul3A_13 = arith.mulf %broadcast_in_dim3A, %mul3A_12 : vector<12544x1xf32>
    %mul3A_14 = arith.constant 12544 : i32
    %mul3A_15 = arith.muli %arg0, %mul3A_14 : i32
    %iota3A = tpu.iota {dimensions = array<i32: 0>} : vector<12544x1xi32>
    %add3A = vector.broadcast %mul3A_15 : i32 to vector<12544x1xi32>
    %add3A_16 = arith.addi %add3A, %iota3A : vector<12544x1xi32>
    %lt3A = arith.constant 100000 : i32
    %lt3A_17 = vector.broadcast %lt3A : i32 to vector<12544x1xi32>
    %lt3A_18 = arith.cmpi slt, %add3A_16, %lt3A_17 : vector<12544x1xi32>
    %custom_jvp_call3A = arith.constant 0.000000e+00 : f32
    %max3A = vector.broadcast %custom_jvp_call3A : f32 to vector<12544x1xf32>
    %max3A_19 = arith.maximumf %mul3A_13, %max3A : vector<12544x1xf32>
    %sub3A = vector.broadcast %custom_jvp_call3A : f32 to vector<12544x1xf32>
    %sub3A_20 = arith.subf %mul3A_13, %sub3A : vector<12544x1xf32>
    %ne3A = arith.cmpf one, %sub3A_20, %sub3A_20 : vector<12544x1xf32>
    %add3A_21 = vector.broadcast %custom_jvp_call3A : f32 to vector<12544x1xf32>
    %add3A_22 = arith.addf %mul3A_13, %add3A_21 : vector<12544x1xf32>
    %abs3A = math.absf %sub3A_20 : vector<12544x1xf32>
    %neg3A = arith.constant 0.000000e+00 : f32
    %neg3A_23 = vector.broadcast %neg3A : f32 to vector<12544x1xf32>
    %neg3A_24 = arith.subf %neg3A_23, %abs3A : vector<12544x1xf32>
    %exp3A = math.exp %neg3A_24 : vector<12544x1xf32>
    %log1p3A = math.log1p %exp3A : vector<12544x1xf32>
    %add3A_25 = arith.addf %max3A_19, %log1p3A : vector<12544x1xf32>
    %select_n3A = arith.select %ne3A, %add3A_22, %add3A_25 : vector<12544x1xi1>, vector<12544x1xf32>
    %jit3A = arith.constant 0.000000e+00 : f32
    %broadcast_in_dim3A_26 = vector.broadcast %jit3A : f32 to vector<12544x1xf32>
    %select_n3A_27 = arith.select %lt3A_18, %select_n3A, %broadcast_in_dim3A_26 : vector<12544x1xi1>, vector<12544x1xf32>
    %swap3A = arith.constant 0 : index
    %swap3A_28 = arith.constant 0 : index
    %swap3A_29 = vector.load %arg4[%swap3A, %swap3A_28] : memref<12544x1xf32, #tpu.memory_space<vmem>>, vector<12544x1xf32>
    tpu.vector_store %arg4[%swap3A, %swap3A_28], %select_n3A_27 {strides = array<i32>} : memref<12544x1xf32, #tpu.memory_space<vmem>>, vector<12544x1xf32>,
    return
  }
  func.func @transform_0(%arg0: i32) -> (i32, i32) {
    %c0_i32 = arith.constant 0 : i32
    %c0_i32_0 = arith.constant 0 : i32
    return %arg0, %c0_i32 : i32, i32
  }
  func.func @transform_1(%arg0: i32) -> (i32, i32) {
    %c0_i32 = arith.constant 0 : i32
    %c0_i32_0 = arith.constant 0 : i32
    %c0_i32_1 = arith.constant 0 : i32
    return %c0_i32, %c0_i32_0 : i32, i32
  }
  func.func @transform_2(%arg0: i32) -> (i32, i32) {
    %c0_i32 = arith.constant 0 : i32
    %c0_i32_0 = arith.constant 0 : i32
    %c0_i32_1 = arith.constant 0 : i32
    return %c0_i32, %c0_i32_0 : i32, i32
  }
  func.func @transform_3(%arg0: i32) -> (i32, i32) {
    %c0_i32 = arith.constant 0 : i32
    %c0_i32_0 = arith.constant 0 : i32
    return %arg0, %c0_i32 : i32, i32
  }
}

module attributes {stable_mosaic.version = 14 : i64} {
  func.func @_mlp_body(%arg0: i32, %arg1: memref<10000x1xf32, #tpu.memory_space<vmem>>, %arg2: memref<2x128xf32, #tpu.memory_space<vmem>>, %arg3: memref<128x128xf32, #tpu.memory_space<vmem>>, %arg4: memref<128x128xf32, #tpu.memory_space<vmem>>, %arg5: memref<10000x128xf32, #tpu.memory_space<vmem>>) attributes {dimension_semantics = [#tpu.dimension_semantics<arbitrary>], iteration_bounds = array<i64: 10>, scalar_prefetch = 0 : i64, scratch_operands = 0 : i64, tpu.core_type = #tpu.core_type<tc>, window_params = [{transform_indices = @transform_0, window_bounds = array<i64: 10000, 1>}, {pipeline_mode = #tpu.pipeline_mode<synchronous>, transform_indices = @transform_1, window_bounds = array<i64: 2, 128>}, {pipeline_mode = #tpu.pipeline_mode<synchronous>, transform_indices = @transform_2, window_bounds = array<i64: 128, 128>}, {pipeline_mode = #tpu.pipeline_mode<synchronous>, transform_indices = @transform_3, window_bounds = array<i64: 128, 128>}, {transform_indices = @transform_4, window_bounds = array<i64: 10000, 128>}]} {
    %get3A = arith.constant 0 : index
    %get3A_0 = arith.constant 0 : index
    %get3A_1 = vector.load %arg1[%get3A, %get3A_0] : memref<10000x1xf32, #tpu.memory_space<vmem>>, vector<10000x1xf32>
    %get3A_2 = arith.constant 0 : index
    %get3A_3 = arith.constant 0 : index
    %get3A_4 = vector.load %arg2[%get3A_2, %get3A_3] : memref<2x128xf32, #tpu.memory_space<vmem>>, vector<1x128xf32>
    %mul3A = vector.broadcast %get3A_1 : vector<10000x1xf32> to vector<10000x128xf32>
    %mul3A_5 = vector.broadcast %get3A_4 : vector<1x128xf32> to vector<10000x128xf32>
    %mul3A_6 = arith.mulf %mul3A, %mul3A_5 : vector<10000x128xf32>
    %logistic3A = arith.negf %mul3A_6 : vector<10000x128xf32>
    %logistic3A_7 = math.exp %logistic3A : vector<10000x128xf32>
    %logistic3A_8 = arith.constant 1.000000e+00 : f32
    %logistic3A_9 = vector.broadcast %logistic3A_8 : f32 to vector<10000x128xf32>
    %logistic3A_10 = arith.addf %logistic3A_9, %logistic3A_7 : vector<10000x128xf32>
    %logistic3A_11 = arith.divf %logistic3A_9, %logistic3A_10 : vector<10000x128xf32>
    %mul3A_12 = arith.mulf %mul3A_6, %logistic3A_11 : vector<10000x128xf32>
    %get3A_13 = arith.constant 0 : index
    %get3A_14 = arith.constant 0 : index
    %get3A_15 = vector.load %arg3[%get3A_13, %get3A_14] : memref<128x128xf32, #tpu.memory_space<vmem>>, vector<128x128xf32>
    %dot_general3A = arith.constant dense<0.000000e+00> : vector<10000x128xf32>
    %dot_general3A_16 = tpu.matmul %mul3A_12, %get3A_15, %dot_general3A {dimension_numbers = #tpu.dot_dimension_numbers<[1], [1], [0], [0], [0, 0, 1, 0], [], []>, transpose_lhs_hint = false} : vector<10000x128xf32>, vector<128x128xf32>, vector<10000x128xf32> -> vector<10000x128xf32>
    %logistic3A_17 = arith.negf %dot_general3A_16 : vector<10000x128xf32>
    %logistic3A_18 = math.exp %logistic3A_17 : vector<10000x128xf32>
    %logistic3A_19 = arith.constant 1.000000e+00 : f32
    %logistic3A_20 = vector.broadcast %logistic3A_19 : f32 to vector<10000x128xf32>
    %logistic3A_21 = arith.addf %logistic3A_20, %logistic3A_18 : vector<10000x128xf32>
    %logistic3A_22 = arith.divf %logistic3A_20, %logistic3A_21 : vector<10000x128xf32>
    %mul3A_23 = arith.mulf %dot_general3A_16, %logistic3A_22 : vector<10000x128xf32>
    %get3A_24 = arith.constant 0 : index
    %get3A_25 = arith.constant 0 : index
    %get3A_26 = vector.load %arg4[%get3A_24, %get3A_25] : memref<128x128xf32, #tpu.memory_space<vmem>>, vector<128x128xf32>
    %dot_general3A_27 = arith.constant dense<0.000000e+00> : vector<10000x128xf32>
    %dot_general3A_28 = tpu.matmul %mul3A_23, %get3A_26, %dot_general3A_27 {dimension_numbers = #tpu.dot_dimension_numbers<[1], [1], [0], [0], [0, 0, 1, 0], [], []>, transpose_lhs_hint = false} : vector<10000x128xf32>, vector<128x128xf32>, vector<10000x128xf32> -> vector<10000x128xf32>
    %add3A = arith.addf %mul3A_6, %dot_general3A_28 : vector<10000x128xf32>
    %swap3A = arith.constant 0 : index
    %swap3A_29 = arith.constant 0 : index
    %swap3A_30 = vector.load %arg5[%swap3A, %swap3A_29] : memref<10000x128xf32, #tpu.memory_space<vmem>>, vector<10000x128xf32>
    tpu.vector_store %arg5[%swap3A, %swap3A_29], %add3A {strides = array<i32>} : memref<10000x128xf32, #tpu.memory_space<vmem>>, vector<10000x128xf32>,
    return
  }
  func.func @transform_0(%arg0: i32) -> (i32, i32) {
    %c0_i32 = arith.constant 0 : i32
    %c0_i32_0 = arith.constant 0 : i32
    return %arg0, %c0_i32 : i32, i32
  }
  func.func @transform_1(%arg0: i32) -> (i32, i32) {
    %c0_i32 = arith.constant 0 : i32
    %c0_i32_0 = arith.constant 0 : i32
    %c0_i32_1 = arith.constant 0 : i32
    return %c0_i32, %c0_i32_0 : i32, i32
  }
  func.func @transform_2(%arg0: i32) -> (i32, i32) {
    %c0_i32 = arith.constant 0 : i32
    %c0_i32_0 = arith.constant 0 : i32
    %c0_i32_1 = arith.constant 0 : i32
    return %c0_i32, %c0_i32_0 : i32, i32
  }
  func.func @transform_3(%arg0: i32) -> (i32, i32) {
    %c0_i32 = arith.constant 0 : i32
    %c0_i32_0 = arith.constant 0 : i32
    %c0_i32_1 = arith.constant 0 : i32
    return %c0_i32, %c0_i32_0 : i32, i32
  }
  func.func @transform_4(%arg0: i32) -> (i32, i32) {
    %c0_i32 = arith.constant 0 : i32
    %c0_i32_0 = arith.constant 0 : i32
    return %arg0, %c0_i32 : i32, i32
  }
}

</mosaic_0001>

<sc_bundles>
// kernel: kernel.6.cloned.1.call-start
scs
__scs_entry_jumppad:
0x0: {  	(pc) =	sbr.rel $0x88, $3  }
0x1: {  	(tag) =	ssettag $0x0;
	lr =	simm.s32 $0x1  }
0x2: {  	[smem:$0x3F99] =	sst lr;
	_ =	strace $0xD0000000  }
0x3: {  	_ = 	snop  }
0x4: {  	_ = 	snop  }
0x5: {  	_ = 	snop  }
0x6: {  	_ = 	snop  }
0x7: {  	_ = 	snop  }
__scs_overlays_trampoline_lowered:
0x8: {  	[smem:$0x3FA8] =	sst s0  }
0x9: {  	[smem:$0x3FA9] =	sst s1  }
0xa: {  	[smem:$0x3FAA] =	sst s2  }
0xb: {  	[smem:$0x3FAB] =	sst s3  }
0xc: {  	[smem:$0x3FAC] =	sst s4  }
0xd: {  	[smem:$0x3FAD] =	sst s5  }
0xe: {  	[smem:$0x3FAE] =	sst s6  }
0xf: {  	[smem:$0x3FAF] =	sst s7  }
0x10: {  	[smem:$0x3FB0] =	sst s8  }
0x11: {  	[smem:$0x3FB1] =	sst s9;
	s0 =	simm.s32 @!p0 $0x0  }
0x12: {  	s1 =	sld [smem:$0x3F97];
	s0 =	simm.s32 @p0 $0x1  }
0x13: {  	[smem:$0x3FB2] =	sst s0;
	s0 =	simm.s32 @!p1 $0x0  }
0x14: {  	s2 =	sld [smem:$0x3F96];
	s0 =	simm.s32 @p1 $0x1  }
0x15: {  	[smem:$0x3FB3] =	sst s0;
	s0 =	simm.s32 @!p2 $0x0  }
0x16: {  	s3 =	sld [smem:$0x3FDB];
	s0 =	simm.s32 @p2 $0x1  }
0x17: {  	s4 =	simm.s32 $0x1BF5;
	[smem:$0x3FB5] =	sst s0  }
0x18: {  	s0 =	sld [smem:$0x3F98];
	_ =	swait.ge [sflag:s4], $0x0  }
0x19: {  	s7 =	sld [smem:$0x3F99]  }
0x1a: {  	s8 =	sadd.s32 $0xFFFFE003, lr  }
0x1b: {  	s9 =	sadd.s32 $0xFFFFFEF7, lr;
	s5 =	simm.s32 $0xFFFFFFFF;
	p2 =	slt.u32 s8, $0xFFFFF086  }
0x1c: {  	p1 =	slt.u32 s9, $0xF7A;
	s5 =	simm.s32 @!p2 $0x0  }
0x1d: {  	s5 =	simm.s32 @p1 $0x1;
	p0 =	seq.s32 s7, s2  }
0x1e: {  	s7 =	smul.u32 @!p0 $0xF7A, s2;
	p2 =	seq.s32 @!p0 s5, $0x0  }
0x1f: {  	s9 =	smul.u32 $0xF7A, s1;
	s8 =	simm.s32 @!p0 $0x1BF5;
	p2 =	por !p2, p0  }
0x20: {  	[sflag:s8] =	ssyncset.s32 @!p0 $0xFFFFF086;
	s6 =	sadd.s32 @!p0 s3, s7;
	s7 =	simm.s32 @!p0 $0x108  }
0x21: {  	s3 =	sadd.s32 s3, s9;
	s6 =	sadd.s32 @!p0 $0x88, s6;
	s7 =	simm.s32 @p2 $0x1082  }
0x22: {  	[simem:s7], [sflag:s8] =	dma.local @!p0 [hbm:s6], $0xF7A  }
0x23: {  	s9 =	sor.u32 $0xD0000000, s2;
	s6 =	simm.s32 $0x108;
	_ =	swait.ge @!p0 [sflag:s8], $0x0  }
0x24: {  	s3 =	sadd.s32 $0x88, s3;
	s6 =	simm.s32 @!p1 $0x1082;
	[sflag:s4] =	ssyncset.s32 $0xFFFFF086  }
0x25: {  	[simem:s6], [sflag:s4] =	dma.local [hbm:s3], $0xF7A  }
0x26: {  	[smem:$0x3F99] =	sst s1;
	(tag) =	ssettag s2;
	_ =	strace s9  }
0x27: {  	s1 =	sld [smem:$0x3FA9]  }
0x28: {  	s2 =	sld [smem:$0x3FAA]  }
0x29: {  	s4 =	sld [smem:$0x3FAC]  }
0x2a: {  	p0 =	seq.s32 s5, $0x0;
	s5 =	sld [smem:$0x3FAD]  }
0x2b: {  	s6 =	sld [smem:$0x3FAE]  }
0x2c: {  	s7 =	sld [smem:$0x3FAF]  }
0x2d: {  	s3 =	simm.s32 $0x108;
	s8 =	sld [smem:$0x3FB0]  }
0x2e: {  	s3 =	simm.s32 @!p0 $0x1082;
	s9 =	sld [smem:$0x3FB1]  }
0x2f: {  	lr =	sadd.s32 s0, s3;
	s0 =	sld [smem:$0x3FA8]  }
0x30: {  	s3 =	sld [smem:$0x3FAB]  }
0x31: {  	[smem:$0x3FB4] =	sst s10  }
0x32: {  	s10 =	sld [smem:$0x3FB2];
	_ =	sdelay $0x3  }
0x33: {  	p0 =	seq.s32 s10, $0x1;
	s10 =	sld [smem:$0x3FB4];
	_ =	sdelay $0x3  }
0x34: {  	[smem:$0x3FB4] =	sst s10  }
0x35: {  	s10 =	sld [smem:$0x3FB3];
	_ =	sdelay $0x3  }
0x36: {  	p1 =	seq.s32 s10, $0x1;
	s10 =	sld [smem:$0x3FB4];
	_ =	sdelay $0x3  }
0x37: {  	[smem:$0x3FB4] =	sst s10  }
0x38: {  	s10 =	sld [smem:$0x3FB5]  }
0x39: {  	_ = 	snop;
	(pc) =	sbr.ind lr, $3  }
0x3a: {  	_ = 	snop  }
0x3b: {  	_ = 	snop  }
0x3c: {  	p2 =	seq.s32 s10, $0x1;
	s10 =	sld [smem:$0x3FB4]  }
0x3d: {  	_ =	shalt  }
0x3e: {  	_ =	shalt  }
0x3f: {  	_ =	shalt  }
0x40: {  	_ =	shalt  }
0x41: {  	_ =	shalt  }
0x42: {  	_ =	shalt  }
0x43: {  	_ =	shalt  }
0x44: {  	_ =	shalt  }
0x45: {  	_ =	shalt  }
0x46: {  	_ =	shalt  }
0x47: {  	_ =	shalt  }
0x48: {  	_ =	shalt  }
0x49: {  	_ =	shalt  }
0x4a: {  	_ =	shalt  }
0x4b: {  	_ =	shalt  }
0x4c: {  	_ =	shalt  }
0x4d: {  	_ =	shalt  }
0x4e: {  	_ =	shalt  }
0x4f: {  	_ =	shalt  }
0x50: {  	_ =	shalt  }
0x51: {  	_ =	shalt  }
0x52: {  	_ =	shalt  }
0x53: {  	_ =	shalt  }
0x54: {  	_ =	shalt  }
0x55: {  	_ =	shalt  }
0x56: {  	_ =	shalt  }
0x57: {  	_ =	shalt  }
0x58: {  	_ =	shalt  }
0x59: {  	_ =	shalt  }
0x5a: {  	_ =	shalt  }
0x5b: {  	_ =	shalt  }
0x5c: {  	_ =	shalt  }
0x5d: {  	_ =	shalt  }
0x5e: {  	_ =	shalt  }
0x5f: {  	_ =	shalt  }
0x60: {  	_ =	shalt  }
0x61: {  	_ =	shalt  }
0x62: {  	_ =	shalt  }
0x63: {  	_ =	shalt  }
0x64: {  	_ =	shalt  }
0x65: {  	_ =	shalt  }
0x66: {  	_ =	shalt  }
0x67: {  	_ =	shalt  }
0x68: {  	_ =	shalt  }
0x69: {  	_ =	shalt  }
0x6a: {  	_ =	shalt  }
0x6b: {  	_ =	shalt  }
0x6c: {  	_ =	shalt  }
0x6d: {  	_ =	shalt  }
0x6e: {  	_ =	shalt  }
0x6f: {  	_ =	shalt  }
0x70: {  	_ =	shalt  }
0x71: {  	_ =	shalt  }
0x72: {  	_ =	shalt  }
0x73: {  	_ =	shalt  }
0x74: {  	_ =	shalt  }
0x75: {  	_ =	shalt  }
0x76: {  	_ =	shalt  }
0x77: {  	_ =	shalt  }
0x78: {  	_ =	shalt  }
0x79: {  	_ =	shalt  }
0x7a: {  	_ =	shalt  }
0x7b: {  	_ =	shalt  }
0x7c: {  	_ =	shalt  }
0x7d: {  	_ =	shalt  }
0x7e: {  	_ =	shalt  }
0x7f: {  	_ =	shalt  }
0x80: {  	_ =	shalt  }
0x81: {  	_ =	shalt  }
0x82: {  	_ =	shalt  }
0x83: {  	_ =	shalt  }
0x84: {  	_ =	shalt  }
0x85: {  	_ =	shalt  }
0x86: {  	_ =	shalt  }
0x87: {  	_ =	shalt  }
.Lfunc_end0:
.L_simem_size_0:
called_computation_lowered:
.L_overlay_start_0:
0x88: {  	s0 =	sld [smem:$0x3FD9]  }
0x89: {  	s1 =	sld [smem:$0x3FFE];
	_ =	sdelay $0x3  }
0x8a: {  	s0 =	sadd.s32 s1, s0  }
0x8b: {  	[smem:$0x3FC0] =	sst s0  }
0x8c: {  	_ = 	snop  }
0x8d: {  	s0 =	sld [smem:$0x3FD0];
	(tm) =	ssettm $0x1  }
0x8e: {  	s16 =	sld [smem:$0x3FFB];
	_ =	sdelay $0x3  }
0x8f: {  	_ =	strace s16  }
0x90: {  	s1 =	sld [smem:$0x3FFC];
	_ =	sdelay $0x3  }
0x91: {  	_ =	strace s1  }
0x92: {  	s1 =	sld [smem:$0x3FFD];
	_ =	sdelay $0x3  }
0x93: {  	_ =	strace s1  }
0x94: {  	_ =	strace $0x8FFFFFFF  }
0x95: {  	s17 =	sld [smem:$0x3FDB];
	_ =	sdelay $0x1  }
0x96: {  	s2 =	simm.s32 $_scs_section_size  }
0x97: {  	s3 =	simm.s32 $_size__tile_overlayer_lowered;
	s4 =	simm.s32 $_tile_overlayer_lowered  }
0x98: {  	s20 =	simm.s32 $0x1BFF;
	s19 =	sshll.u32 s4, $0x1;
	s1 =	sadd.s32 s2, s17  }
0x99: {  	s5 =	simm.s32 $0x0;
	s18 =	sshll.u32 s3, $0x1;
	s3 =	sadd.s32 s19, s1  }
0x9a: {  	[timem:s5], [sflag:s20] =	dma.local [hbm:s3], s18  }
0x9b: {  	_ =	swait.ge [sflag:s20], s18  }
0x9c: {  	s2 =	ssub.s32 $0x0, s18;
	[sflag:s20] =	ssyncset.done $0x0  }
0x9d: {  	[sflag:s20] =	ssyncadd.s32 s2;
	_ =	sdelay $0x1  }
0x9e: {  	s21 =	simm.s32 $0x1B8B  }
0x9f: {  	_ =	swait.ge [sflag:s21], $0x1  }
0xa0: {  	[sflag:s21] =	ssyncset.done $0x0  }
0xa1: {  	s23 =	simm.s32 $0x1B8E;
	s22 =	sld [smem:$0x3FFE];
	[sflag:s21] =	ssyncadd.s32 $0xFFFFFFFF  }
0xa2: {  	s24 =	simm.s32 $execute0_lowered;
	[smem:$0x3FD2] =	sst s23  }
0xa3: {  	s3 =	sshll.u32 s24, $0x1;
	_ =	strace $0x80000046;
	[dreg:$0x1] =	wrdreg $0xFFFFFFFF  }
0xa4: {  	s25 =	simm.s32 $_size_execute0_lowered;
	s1 =	sadd.s32 s1, s3;
	[dreg:$0x0] =	wrdreg $0x0  }
0xa5: {  	s3 =	sshll.u32 s25, $0x1;
	[dreg:$0x2] =	wrdreg s1  }
0xa6: {  	[dreg:$0x3] =	wrdreg s3  }
0xa7: {  	[dreg:$0x4] =	wrdreg $0xC0  }
0xa8: {  	_ =	task [dreg:s5], $0x5FFFF  }
0xa9: {  	[dreg:$0x1] =	wrdreg $0xFFFFFFFF  }
0xaa: {  	[dreg:$0x0] =	wrdreg $0x60  }
0xab: {  	[dreg:$0x2] =	wrdreg s0  }
0xac: {  	[dreg:$0x3] =	wrdreg s22  }
0xad: {  	[dreg:$0x4] =	wrdreg $0x9  }
0xae: {  	_ =	task.clear_ibuf [dreg:s5], $0x5FFFF;
	_ =	strace $0x90000046  }
0xaf: {  	s26 =	simm.s32 $0x9;
	_ =	strace $0x80000048  }
0xb0: {  	_ =	swait.ge [sflag:s26], $0x1  }
0xb1: {  	[sflag:s26] =	ssyncadd.s32 $0xFFFFFFFF  }
0xb2: {  	_ =	strace $0x90000048  }
0xb3: {  	_ =	sfence  }
0xb4: {  	s28 =	sld [smem:$0x0];
	_ =	sdelay $0x1  }
0xb5: {  	s29 =	srdreg.scid  }
0xb6: {  	s30 =	sshll.u32 s29, $0xD;
	s31 =	sshrl.u32 s29, $0x2  }
0xb7: {  	s2 =	sand.u32 $0x4000, s30;
	s1 =	sand.u32 $0x1, s29;
	s0 =	sadd.s32 s31, s28  }
0xb8: {  	s1 =	sor.u32 s2, s1;
	s0 =	sshll.u32 s0, $0x11  }
0xb9: {  	s0 =	sor.u32 s0, s1  }
0xba: {  	s0 =	sadd.s32 $0x8F2B, s0  }
0xbb: {  	[sflag:s0] =	ssyncadd.remote.s32 $0x1  }
0xbc: {  	_ =	sfence.sel $0xFFFF  }
0xbd: {  	[dreg:$0x0] =	wrdreg $0xFFFFFFFF;
	(pc) =	sbr.abs _section_cstart, $3  }
0xbe: {  	[dreg:$0x1] =	wrdreg $0xFFFFFFFF  }
0xbf: {  	_ =	task.clear_ibuf [dreg:s5], $0x2FFFF;
	_ =	strace $0x9FFFFFFF  }
0xc0: {  	(tm) =	ssettm $0x7FFFFFFF  }
0xc1: {  	_ =	shalt  }
tec
execute0_lowered:
.L_overlay_start_1:
0x0: {  	(tag) =	ssettag $0x1  }
0x1: {  	s2 =	rddreg [dreg:$0x0]  }
0x2: {  	s3 =	rddreg [dreg:$0x1];
	s1 =	stileid.u32  }
0x3: {  	s0 =	rddreg [dreg:$0x2];
	s4 =	simm.s32 $0x0;
	s5 =	smul.u32 $0x310, s1  }
0x4: {  	[smem:$0x7FF] =	sst s4  }
0x5: {  	s6 =	simm.s32 $0x1;
	_ =	strace $0x80000047;
	s2 =	sadd.s32 s2, s5  }
0x6: {  	[tilespmem:s4], [sflag:$0x1] =	stream.linear.gather [hbm4b:s2+s4], $0x1880, $0x38;
	[tilespmem:$0x3A00] =	vst v63  }
0x7: {  	_ =	swait.ge [sflag:s6], $0x1880  }
0x8: {  	s30 =	sadd.s32 s5, s3;
	[sflag:s6] =	ssyncset.done $0x0  }
0x9: {  	s31 =	simm.s32 $0x1880;
	s2 =	sadd.s32 $0x1000, s30;
	[sflag:s6] =	ssyncadd.s32 $0xFFFFE780  }
0xa: {  	[tilespmem:s31], [sflag:$0x1] =	stream.linear.gather [hbm4b:s2+s4], $0x1880, $0x38;
	[tilespmem:$0x3A00] =	vst v63  }
0xb: {  	_ =	swait.ge [sflag:s6], $0x1880  }
0xc: {  	s2 =	sadd.s32 $0x4200, s3;
	[sflag:s6] =	ssyncset.done $0x0  }
0xd: {  	v0 =	vimm.f32 $0.0e+00;
	s3 =	simm.s32 $0x40;
	s4 =	simm.s32 $0x0;
	[sflag:s6] =	ssyncadd.s32 $0xFFFFE780  }
.LBB2_1:
0xe: {  	p0 =	sne.s32 s3, $0x1000;
	[tilespmem:s4+$0x3100] =	vst v0;
	s4 =	smov.u32 s3;
	s3 =	sadd.s32 $0x40, s3  }
.Ltmp0:
0xf: {  	(pc) =	sbr.rel @p0 .LBB2_1-.Ltmp0, $2  }
0x10: {  	_ =	sdelay $0x2  }
0x11: {  	s4 =	sshra.s32 s4, $0x2  }
0x12: {  	[tilespmem:s4+$0x3100] =	vst v0;
	s3 =	simm.s32 $0x0;
	s4 =	simm.s32 $0x3100  }
.LBB2_3:
0x13: {  	s5 =	sshra.s32 s3, $0x2  }
0x14: {  	v0 =	vld [tilespmem:s5+$0x1880];
	_ =	sdelay $0x2  }
0x15: {  	v1 =	vld [tilespmem:s5+$0x0];
	_ =	sdelay $0x4  }
0x16: {  	[tilespmem:v0+s4+$0x0] =	vst.idx.add.f32.msk $0xffff, v1  }
0x17: {  	v0 =	vld [tilespmem:s5+$0x1890];
	_ =	sdelay $0x2  }
0x18: {  	v1 =	vld [tilespmem:s5+$0x10];
	_ =	sdelay $0x4  }
0x19: {  	[tilespmem:v0+s4+$0x0] =	vst.idx.add.f32.msk $0xffff, v1  }
0x1a: {  	v0 =	vld [tilespmem:s5+$0x18A0];
	_ =	sdelay $0x2  }
0x1b: {  	v1 =	vld [tilespmem:s5+$0x20];
	_ =	sdelay $0x4  }
0x1c: {  	[tilespmem:v0+s4+$0x0] =	vst.idx.add.f32.msk $0xffff, v1  }
0x1d: {  	v0 =	vld [tilespmem:s5+$0x18B0];
	_ =	sdelay $0x2  }
0x1e: {  	p0 =	sne.s32 s3, $0x6100;
	v1 =	vld [tilespmem:s5+$0x30]  }
.Ltmp1:
0x1f: {  	_ = 	snop;
	(pc) =	sbr.rel @p0 .LBB2_3-.Ltmp1, $2  }
0x20: {  	_ =	sdelay $0x2  }
0x21: {  	s3 =	sadd.s32 $0x100, s3;
	[tilespmem:v0+s4+$0x0] =	vst.idx.add.f32.msk $0xffff, v1  }
0x22: {  	s3 =	simm.s32 $0x0  }
0x23: {  	s4 =	simm.s32 $0x40;
	v0 =	vld [tilespmem:s3+$0x3100]  }
.LBB2_5:
0x24: {  	p0 =	sne.s32 s4, $0x1000  }
.Ltmp2:
0x25: {  	_ = 	snop;
	(pc) =	sbr.rel @p0 .LBB2_5-.Ltmp2, $3  }
0x26: {  	_ =	sdelay $0x1  }
0x27: {  	[tilespmem:s3+$0x3580] =	vst v0;
	s3 =	sshra.s32 s4, $0x2;
	s4 =	sadd.s32 $0x40, s4  }
0x28: {  	v0 =	vld [tilespmem:s3+$0x3100]  }
0x29: {  	s4 =	sshrl.u32 s1, $0x3  }
0x2a: {  	s5 =	sshll.u32 s1, $0x7;
	s4 =	smul.u32 $0x2400, s4  }
0x2b: {  	s5 =	sand.u32 $0x380, s5  }
0x2c: {  	s4 =	sor.u32 s5, s4  }
0x2d: {  	s28 =	simm.s32 $0x80;
	s29 =	simm.s32 $0x400;
	s4 =	sshrl.u32 s4, $0x3  }
0x2e: {  	s30 =	simm.s32 $0x3580;
	s31 =	simm.s32 $0x1;
	[tilespmem:s3+$0x3580] =	vst v0;
	s2 =	sadd.s32 s2, s4  }
0x2f: {  	[hbm4b:s2+s28] =	stream.strided.scatter [tilespmem:s30], [sflag:$0x1], $0x480, s29, s28, $0x38;
	[tilespmem:$0x3A00] =	vst v63  }
0x30: {  	_ =	swait.ge [sflag:s31], $0x480  }
0x31: {  	[sflag:s31] =	ssyncset.done $0x0  }
0x32: {  	[sflag:s31] =	ssyncadd.s32 $0xFFFFFB80  }
0x33: {  	_ =	sfence.sel $0x180000  }
0x34: {  	[bflag:$0x0] =	sbarrier.arrive $0xFFFF  }
0x35: {  	p0 =	sne.s32 s1, $0x0;
	_ =	strace $0x90000047  }
0x36: {  	s0 =	sadd.s32 @!p0 $0x100000, s0;
	[bflag:$0x2] =	sbarrier.arrive $0xFFFF  }
0x37: {  	[sflag:s0] =	ssyncadd.tile.s32 @!p0 $0x1;
	_ =	shalt  }
.Lfunc_end2:
_tile_overlayer_lowered:
.L_overlay_start_2:
0x38: {  	(tag) =	ssettag $0x2  }
0x39: {  	s0 =	rddreg [dreg:$0x0];
	s2 =	stileid.u32  }
0x3a: {  	s1 =	rddreg [dreg:$0x1];
	p0 =	sne.s32 s2, $0x0  }
0x3b: {  	s3 =	rddreg [dreg:$0x2];
	[bflag:$0x3] =	sbarrier.arrive $0xFFFF;
	s2 =	simm.s32 @!p0 $0x1C01  }
0x3c: {  	[timem:s3], [sflag:s2] =	dma.local @!p0 [hbm:s0], s1  }
0x3d: {  	s0 =	simm.s32 @!p0 $0x1  }
0x3e: {  	_ =	swait.ge @!p0 [sflag:s0], s1  }
0x3f: {  	s1 =	ssub.s32 @!p0 $0x0, s1;
	[sflag:s0] =	ssyncset.done @!p0 $0x0  }
0x40: {  	[sflag:s0] =	ssyncadd.s32 @!p0 s1  }
0x41: {  	[bflag:$0x3] =	sbarrier.arrive $0xFFFF  }
0x42: {  	_ =	shalt  }

// kernel: kernel.9.cloned.1.call-start
scs
__scs_entry_jumppad:
0x0: {  	(pc) =	sbr.rel $0x88, $3  }
0x1: {  	(tag) =	ssettag $0x0;
	lr =	simm.s32 $0x1  }
0x2: {  	[smem:$0x3F99] =	sst lr;
	_ =	strace $0xD0000000  }
0x3: {  	_ = 	snop  }
0x4: {  	_ = 	snop  }
0x5: {  	_ = 	snop  }
0x6: {  	_ = 	snop  }
0x7: {  	_ = 	snop  }
__scs_overlays_trampoline_lowered:
0x8: {  	[smem:$0x3FA8] =	sst s0  }
0x9: {  	[smem:$0x3FA9] =	sst s1  }
0xa: {  	[smem:$0x3FAA] =	sst s2  }
0xb: {  	[smem:$0x3FAB] =	sst s3  }
0xc: {  	[smem:$0x3FAC] =	sst s4  }
0xd: {  	[smem:$0x3FAD] =	sst s5  }
0xe: {  	[smem:$0x3FAE] =	sst s6  }
0xf: {  	[smem:$0x3FAF] =	sst s7  }
0x10: {  	[smem:$0x3FB0] =	sst s8  }
0x11: {  	[smem:$0x3FB1] =	sst s9;
	s0 =	simm.s32 @!p0 $0x0  }
0x12: {  	s1 =	sld [smem:$0x3F97];
	s0 =	simm.s32 @p0 $0x1  }
0x13: {  	[smem:$0x3FB2] =	sst s0;
	s0 =	simm.s32 @!p1 $0x0  }
0x14: {  	s2 =	sld [smem:$0x3F96];
	s0 =	simm.s32 @p1 $0x1  }
0x15: {  	[smem:$0x3FB3] =	sst s0;
	s0 =	simm.s32 @!p2 $0x0  }
0x16: {  	s3 =	sld [smem:$0x3FDB];
	s0 =	simm.s32 @p2 $0x1  }
0x17: {  	s4 =	simm.s32 $0x1BF5;
	[smem:$0x3FB5] =	sst s0  }
0x18: {  	s0 =	sld [smem:$0x3F98];
	_ =	swait.ge [sflag:s4], $0x0  }
0x19: {  	s7 =	sld [smem:$0x3F99]  }
0x1a: {  	s8 =	sadd.s32 $0xFFFFE003, lr  }
0x1b: {  	s9 =	sadd.s32 $0xFFFFFEF7, lr;
	s5 =	simm.s32 $0xFFFFFFFF;
	p2 =	slt.u32 s8, $0xFFFFF086  }
0x1c: {  	p1 =	slt.u32 s9, $0xF7A;
	s5 =	simm.s32 @!p2 $0x0  }
0x1d: {  	s5 =	simm.s32 @p1 $0x1;
	p0 =	seq.s32 s7, s2  }
0x1e: {  	s7 =	smul.u32 @!p0 $0xF7A, s2;
	p2 =	seq.s32 @!p0 s5, $0x0  }
0x1f: {  	s9 =	smul.u32 $0xF7A, s1;
	s8 =	simm.s32 @!p0 $0x1BF5;
	p2 =	por !p2, p0  }
0x20: {  	[sflag:s8] =	ssyncset.s32 @!p0 $0xFFFFF086;
	s6 =	sadd.s32 @!p0 s3, s7;
	s7 =	simm.s32 @!p0 $0x108  }
0x21: {  	s3 =	sadd.s32 s3, s9;
	s6 =	sadd.s32 @!p0 $0x88, s6;
	s7 =	simm.s32 @p2 $0x1082  }
0x22: {  	[simem:s7], [sflag:s8] =	dma.local @!p0 [hbm:s6], $0xF7A  }
0x23: {  	s9 =	sor.u32 $0xD0000000, s2;
	s6 =	simm.s32 $0x108;
	_ =	swait.ge @!p0 [sflag:s8], $0x0  }
0x24: {  	s3 =	sadd.s32 $0x88, s3;
	s6 =	simm.s32 @!p1 $0x1082;
	[sflag:s4] =	ssyncset.s32 $0xFFFFF086  }
0x25: {  	[simem:s6], [sflag:s4] =	dma.local [hbm:s3], $0xF7A  }
0x26: {  	[smem:$0x3F99] =	sst s1;
	(tag) =	ssettag s2;
	_ =	strace s9  }
0x27: {  	s1 =	sld [smem:$0x3FA9]  }
0x28: {  	s2 =	sld [smem:$0x3FAA]  }
0x29: {  	s4 =	sld [smem:$0x3FAC]  }
0x2a: {  	p0 =	seq.s32 s5, $0x0;
	s5 =	sld [smem:$0x3FAD]  }
0x2b: {  	s6 =	sld [smem:$0x3FAE]  }
0x2c: {  	s7 =	sld [smem:$0x3FAF]  }
0x2d: {  	s3 =	simm.s32 $0x108;
	s8 =	sld [smem:$0x3FB0]  }
0x2e: {  	s3 =	simm.s32 @!p0 $0x1082;
	s9 =	sld [smem:$0x3FB1]  }
0x2f: {  	lr =	sadd.s32 s0, s3;
	s0 =	sld [smem:$0x3FA8]  }
0x30: {  	s3 =	sld [smem:$0x3FAB]  }
0x31: {  	[smem:$0x3FB4] =	sst s10  }
0x32: {  	s10 =	sld [smem:$0x3FB2];
	_ =	sdelay $0x3  }
0x33: {  	p0 =	seq.s32 s10, $0x1;
	s10 =	sld [smem:$0x3FB4];
	_ =	sdelay $0x3  }
0x34: {  	[smem:$0x3FB4] =	sst s10  }
0x35: {  	s10 =	sld [smem:$0x3FB3];
	_ =	sdelay $0x3  }
0x36: {  	p1 =	seq.s32 s10, $0x1;
	s10 =	sld [smem:$0x3FB4];
	_ =	sdelay $0x3  }
0x37: {  	[smem:$0x3FB4] =	sst s10  }
0x38: {  	s10 =	sld [smem:$0x3FB5]  }
0x39: {  	_ = 	snop;
	(pc) =	sbr.ind lr, $3  }
0x3a: {  	_ = 	snop  }
0x3b: {  	_ = 	snop  }
0x3c: {  	p2 =	seq.s32 s10, $0x1;
	s10 =	sld [smem:$0x3FB4]  }
0x3d: {  	_ =	shalt  }
0x3e: {  	_ =	shalt  }
0x3f: {  	_ =	shalt  }
0x40: {  	_ =	shalt  }
0x41: {  	_ =	shalt  }
0x42: {  	_ =	shalt  }
0x43: {  	_ =	shalt  }
0x44: {  	_ =	shalt  }
0x45: {  	_ =	shalt  }
0x46: {  	_ =	shalt  }
0x47: {  	_ =	shalt  }
0x48: {  	_ =	shalt  }
0x49: {  	_ =	shalt  }
0x4a: {  	_ =	shalt  }
0x4b: {  	_ =	shalt  }
0x4c: {  	_ =	shalt  }
0x4d: {  	_ =	shalt  }
0x4e: {  	_ =	shalt  }
0x4f: {  	_ =	shalt  }
0x50: {  	_ =	shalt  }
0x51: {  	_ =	shalt  }
0x52: {  	_ =	shalt  }
0x53: {  	_ =	shalt  }
0x54: {  	_ =	shalt  }
0x55: {  	_ =	shalt  }
0x56: {  	_ =	shalt  }
0x57: {  	_ =	shalt  }
0x58: {  	_ =	shalt  }
0x59: {  	_ =	shalt  }
0x5a: {  	_ =	shalt  }
0x5b: {  	_ =	shalt  }
0x5c: {  	_ =	shalt  }
0x5d: {  	_ =	shalt  }
0x5e: {  	_ =	shalt  }
0x5f: {  	_ =	shalt  }
0x60: {  	_ =	shalt  }
0x61: {  	_ =	shalt  }
0x62: {  	_ =	shalt  }
0x63: {  	_ =	shalt  }
0x64: {  	_ =	shalt  }
0x65: {  	_ =	shalt  }
0x66: {  	_ =	shalt  }
0x67: {  	_ =	shalt  }
0x68: {  	_ =	shalt  }
0x69: {  	_ =	shalt  }
0x6a: {  	_ =	shalt  }
0x6b: {  	_ =	shalt  }
0x6c: {  	_ =	shalt  }
0x6d: {  	_ =	shalt  }
0x6e: {  	_ =	shalt  }
0x6f: {  	_ =	shalt  }
0x70: {  	_ =	shalt  }
0x71: {  	_ =	shalt  }
0x72: {  	_ =	shalt  }
0x73: {  	_ =	shalt  }
0x74: {  	_ =	shalt  }
0x75: {  	_ =	shalt  }
0x76: {  	_ =	shalt  }
0x77: {  	_ =	shalt  }
0x78: {  	_ =	shalt  }
0x79: {  	_ =	shalt  }
0x7a: {  	_ =	shalt  }
0x7b: {  	_ =	shalt  }
0x7c: {  	_ =	shalt  }
0x7d: {  	_ =	shalt  }
0x7e: {  	_ =	shalt  }
0x7f: {  	_ =	shalt  }
0x80: {  	_ =	shalt  }
0x81: {  	_ =	shalt  }
0x82: {  	_ =	shalt  }
0x83: {  	_ =	shalt  }
0x84: {  	_ =	shalt  }
0x85: {  	_ =	shalt  }
0x86: {  	_ =	shalt  }
0x87: {  	_ =	shalt  }
.Lfunc_end0:
.L_simem_size_0:
called_computation.1_lowered:
.L_overlay_start_0:
0x88: {  	s0 =	sld [smem:$0x3FD9]  }
0x89: {  	s1 =	sld [smem:$0x3FFE];
	_ =	sdelay $0x3  }
0x8a: {  	s0 =	sadd.s32 s1, s0  }
0x8b: {  	[smem:$0x3FC0] =	sst s0  }
0x8c: {  	_ = 	snop  }
0x8d: {  	s0 =	sld [smem:$0x3FC8]  }
0x8e: {  	s16 =	sld [smem:$0x3FD0];
	(tm) =	ssettm $0x1  }
0x8f: {  	s2 =	sld [smem:$0x3FFB];
	_ =	sdelay $0x3  }
0x90: {  	_ =	strace s2  }
0x91: {  	s2 =	sld [smem:$0x3FFC];
	_ =	sdelay $0x3  }
0x92: {  	_ =	strace s2  }
0x93: {  	s2 =	sld [smem:$0x3FFD];
	_ =	sdelay $0x3  }
0x94: {  	_ =	strace s2  }
0x95: {  	_ =	strace $0x8FFFFFFF  }
0x96: {  	s17 =	sld [smem:$0x3FDB];
	_ =	sdelay $0x1  }
0x97: {  	s3 =	simm.s32 $_scs_section_size  }
0x98: {  	s4 =	simm.s32 $_size__tile_overlayer_lowered;
	s5 =	simm.s32 $_tile_overlayer_lowered  }
0x99: {  	s20 =	simm.s32 $0x1BFF;
	s19 =	sshll.u32 s5, $0x1;
	s2 =	sadd.s32 s3, s17  }
0x9a: {  	s6 =	simm.s32 $0x0;
	s18 =	sshll.u32 s4, $0x1;
	s4 =	sadd.s32 s19, s2  }
0x9b: {  	[timem:s6], [sflag:s20] =	dma.local [hbm:s4], s18  }
0x9c: {  	_ =	swait.ge [sflag:s20], s18  }
0x9d: {  	s3 =	ssub.s32 $0x0, s18;
	[sflag:s20] =	ssyncset.done $0x0  }
0x9e: {  	[sflag:s20] =	ssyncadd.s32 s3;
	_ =	sdelay $0x1  }
0x9f: {  	s21 =	simm.s32 $0x1B8B  }
0xa0: {  	_ =	swait.ge [sflag:s21], $0x1  }
0xa1: {  	[sflag:s21] =	ssyncset.done $0x0  }
0xa2: {  	s23 =	simm.s32 $0x1B8E;
	s22 =	sld [smem:$0x3FFE];
	[sflag:s21] =	ssyncadd.s32 $0xFFFFFFFF  }
0xa3: {  	s24 =	simm.s32 $execute0_lowered;
	[smem:$0x3FD2] =	sst s23  }
0xa4: {  	s4 =	sshll.u32 s24, $0x1;
	_ =	strace $0x80000049;
	[dreg:$0x1] =	wrdreg $0xFFFFFFFF  }
0xa5: {  	s25 =	simm.s32 $_size_execute0_lowered;
	s2 =	sadd.s32 s2, s4;
	[dreg:$0x0] =	wrdreg $0x0  }
0xa6: {  	s4 =	sshll.u32 s25, $0x1;
	[dreg:$0x2] =	wrdreg s2  }
0xa7: {  	[dreg:$0x3] =	wrdreg s4  }
0xa8: {  	[dreg:$0x4] =	wrdreg $0xC0  }
0xa9: {  	_ =	task [dreg:s6], $0x5FFFF  }
0xaa: {  	[dreg:$0x1] =	wrdreg $0xFFFFFFFF  }
0xab: {  	[dreg:$0x0] =	wrdreg $0x60  }
0xac: {  	[dreg:$0x2] =	wrdreg s22  }
0xad: {  	[dreg:$0x3] =	wrdreg s0  }
0xae: {  	[dreg:$0x4] =	wrdreg s16  }
0xaf: {  	[dreg:$0x5] =	wrdreg $0x9  }
0xb0: {  	_ =	task.clear_ibuf [dreg:s6], $0x6FFFF;
	_ =	strace $0x90000049  }
0xb1: {  	s26 =	simm.s32 $0x9;
	_ =	strace $0x8000004B  }
0xb2: {  	_ =	swait.ge [sflag:s26], $0x1  }
0xb3: {  	[sflag:s26] =	ssyncadd.s32 $0xFFFFFFFF  }
0xb4: {  	_ =	strace $0x9000004B  }
0xb5: {  	_ =	sfence  }
0xb6: {  	s28 =	sld [smem:$0x0];
	_ =	sdelay $0x1  }
0xb7: {  	s29 =	srdreg.scid  }
0xb8: {  	s30 =	sshll.u32 s29, $0xD;
	s31 =	sshrl.u32 s29, $0x2  }
0xb9: {  	s1 =	sand.u32 $0x1, s29;
	s2 =	sand.u32 $0x4000, s30;
	s0 =	sadd.s32 s31, s28  }
0xba: {  	s1 =	sor.u32 s2, s1;
	s0 =	sshll.u32 s0, $0x11  }
0xbb: {  	s0 =	sor.u32 s0, s1  }
0xbc: {  	s0 =	sadd.s32 $0x8F2B, s0  }
0xbd: {  	[sflag:s0] =	ssyncadd.remote.s32 $0x1  }
0xbe: {  	_ =	sfence.sel $0xFFFF  }
0xbf: {  	[dreg:$0x0] =	wrdreg $0xFFFFFFFF;
	(pc) =	sbr.abs _section_cstart, $3  }
0xc0: {  	[dreg:$0x1] =	wrdreg $0xFFFFFFFF  }
0xc1: {  	_ =	task.clear_ibuf [dreg:s6], $0x2FFFF;
	_ =	strace $0x9FFFFFFF  }
0xc2: {  	(tm) =	ssettm $0x7FFFFFFF  }
0xc3: {  	_ =	shalt  }
tec
execute0_lowered:
.L_overlay_start_1:
0x0: {  	(tag) =	ssettag $0x1  }
0x1: {  	s3 =	rddreg [dreg:$0x0]  }
0x2: {  	s2 =	rddreg [dreg:$0x1]  }
0x3: {  	s5 =	rddreg [dreg:$0x2]  }
0x4: {  	s0 =	rddreg [dreg:$0x3];
	s6 =	simm.s32 $0x0  }
0x5: {  	[smem:$0x7FF] =	sst s6  }
0x6: {  	s7 =	simm.s32 $0x1;
	s1 =	sadd.s32 $0x4200, s3;
	_ =	strace $0x8000004A  }
0x7: {  	[tilespmem:s6], [sflag:$0x1] =	stream.linear.gather [hbm4b:s1+s6], $0x4800, $0x38;
	[tilespmem:$0x8180] =	vst v63  }
0x8: {  	_ =	swait.ge [sflag:s7], $0x4800  }
0x9: {  	[sflag:s7] =	ssyncset.done $0x0  }
0xa: {  	s4 =	simm.s32 $0x4800;
	s1 =	stileid.u32;
	[sflag:s7] =	ssyncadd.s32 $0xFFFFB800  }
0xb: {  	[tilespmem:s4], [sflag:$0x1] =	stream.linear.gather [hbm4b:s2+s6], $0x400, $0x38;
	[tilespmem:$0x8180] =	vst v63  }
0xc: {  	s2 =	smul.u32 $0x310, s1;
	_ =	swait.ge [sflag:s7], $0x400  }
0xd: {  	[sflag:s7] =	ssyncset.done $0x0  }
0xe: {  	s8 =	simm.s32 $0x5080;
	s5 =	sadd.s32 s5, s2;
	[sflag:s7] =	ssyncadd.s32 $0xFFFFFC00  }
0xf: {  	[tilespmem:s8], [sflag:$0x1] =	stream.linear.gather [hbm4b:s5+s6], $0x1880, $0x38;
	[tilespmem:$0x8180] =	vst v63  }
0x10: {  	_ =	swait.ge [sflag:s7], $0x1880  }
0x11: {  	s26 =	sadd.s32 s2, s3;
	[sflag:s7] =	ssyncset.done $0x0  }
0x12: {  	s28 =	simm.s32 $0x6900;
	s5 =	sadd.s32 $0x1000, s26;
	[sflag:s7] =	ssyncadd.s32 $0xFFFFE780  }
0x13: {  	[tilespmem:s28], [sflag:$0x1] =	stream.linear.gather [hbm4b:s5+s6], $0x1880, $0x38;
	[tilespmem:$0x8180] =	vst v63  }
0x14: {  	_ =	swait.ge [sflag:s7], $0x1880  }
0x15: {  	s29 =	sand.u32 $0x70, s6;
	s6 =	sand.u32 $0x1C00, s6;
	[sflag:s7] =	ssyncset.done $0x0  }
0x16: {  	s5 =	sor.u32 s29, s6;
	[sflag:s7] =	ssyncadd.s32 $0xFFFFE780  }
0x17: {  	v0 =	vld [tilespmem:s5+$0x80]  }
0x18: {  	v1 =	vld [tilespmem:s5+$0x0];
	_ =	sdelay $0x1  }
0x19: {  	v2 =	vld [tilespmem:s5+$0x100];
	_ =	sdelay $0x1  }
0x1a: {  	v3 =	vld [tilespmem:s5+$0x180]  }
0x1b: {  	v0 =	vadd.f32 v0, v1  }
0x1c: {  	v50 =	vld [tilespmem:s5+$0x200]  }
0x1d: {  	v0 =	vadd.f32 v2, v0  }
0x1e: {  	v51 =	vld [tilespmem:s5+$0x280]  }
0x1f: {  	v0 =	vadd.f32 v3, v0  }
0x20: {  	v52 =	vld [tilespmem:s5+$0x300]  }
0x21: {  	v0 =	vadd.f32 v50, v0  }
0x22: {  	v53 =	vld [tilespmem:s5+$0x380]  }
0x23: {  	v0 =	vadd.f32 v51, v0  }
0x24: {  	v54 =	vld [tilespmem:s5+$0x2400]  }
0x25: {  	v0 =	vadd.f32 v52, v0  }
0x26: {  	v55 =	vld [tilespmem:s5+$0x2480]  }
0x27: {  	v0 =	vadd.f32 v53, v0  }
0x28: {  	v56 =	vld [tilespmem:s5+$0x2500]  }
0x29: {  	v0 =	vadd.f32 v54, v0  }
0x2a: {  	v57 =	vld [tilespmem:s5+$0x2580]  }
0x2b: {  	v0 =	vadd.f32 v55, v0  }
0x2c: {  	v58 =	vld [tilespmem:s5+$0x2600]  }
0x2d: {  	v0 =	vadd.f32 v56, v0  }
0x2e: {  	v59 =	vld [tilespmem:s5+$0x2680]  }
0x2f: {  	v0 =	vadd.f32 v57, v0  }
0x30: {  	v60 =	vld [tilespmem:s5+$0x2700]  }
0x31: {  	v0 =	vadd.f32 v58, v0  }
0x32: {  	v61 =	vld [tilespmem:s5+$0x2780]  }
0x33: {  	v0 =	vadd.f32 v59, v0;
	_ =	sdelay $0x1  }
0x34: {  	v0 =	vadd.f32 v60, v0;
	_ =	sdelay $0x1  }
0x35: {  	v0 =	vadd.f32 v61, v0;
	_ =	sdelay $0x1  }
0x36: {  	v0 =	vadd.f32 $9.999999970e-07, v0;
	_ =	sdelay $0x1  }
0x37: {  	(erf) = vrcp.f32 v0;
	_ =	sdelay $0x4  }
0x38: {  	v62 =	vld [tilespmem:s4+$0x0];
	_ =	sdelay $0x3  }
0x39: {  	v63 =	vpop (erf)  }
0x3a: {  	s30 =	simm.s32 $0x10;
	s6 =	simm.s32 $0x80;
	v0 =	vmul.f32 v63, v62  }
0x3b: {  	s31 =	sand.u32 $0x1C00, s6;
	s7 =	sand.u32 $0x70, s30;
	s5 =	simm.s32 $0x4C00  }
0x3c: {  	s3 =	sadd.s32 $0x4C00, s3;
	s8 =	sor.u32 s7, s31;
	s7 =	simm.s32 $0x20;
	[tilespmem:s5+$0x0] =	vst v0  }
.LBB2_1:
0x3d: {  	p0 =	sne.s32 s7, $0x3F0;
	v0 =	vld [tilespmem:s8+$0x80]  }
0x3e: {  	v1 =	vld [tilespmem:s8+$0x0];
	_ =	sdelay $0x1  }
0x3f: {  	v2 =	vld [tilespmem:s8+$0x100];
	_ =	sdelay $0x1  }
0x40: {  	v3 =	vld [tilespmem:s8+$0x180]  }
0x41: {  	v0 =	vadd.f32 v0, v1  }
0x42: {  	v1 =	vld [tilespmem:s8+$0x200]  }
0x43: {  	v0 =	vadd.f32 v2, v0  }
0x44: {  	v2 =	vld [tilespmem:s8+$0x280]  }
0x45: {  	v0 =	vadd.f32 v3, v0  }
0x46: {  	v3 =	vld [tilespmem:s8+$0x300]  }
0x47: {  	v0 =	vadd.f32 v1, v0  }
0x48: {  	v1 =	vld [tilespmem:s8+$0x380]  }
0x49: {  	v0 =	vadd.f32 v2, v0  }
0x4a: {  	v2 =	vld [tilespmem:s8+$0x2400]  }
0x4b: {  	v0 =	vadd.f32 v3, v0  }
0x4c: {  	v3 =	vld [tilespmem:s8+$0x2480]  }
0x4d: {  	v0 =	vadd.f32 v1, v0  }
0x4e: {  	v1 =	vld [tilespmem:s8+$0x2500]  }
0x4f: {  	v0 =	vadd.f32 v2, v0  }
0x50: {  	v2 =	vld [tilespmem:s8+$0x2580]  }
0x51: {  	v0 =	vadd.f32 v3, v0  }
0x52: {  	v3 =	vld [tilespmem:s8+$0x2600]  }
0x53: {  	v0 =	vadd.f32 v1, v0  }
0x54: {  	v1 =	vld [tilespmem:s8+$0x2680]  }
0x55: {  	v0 =	vadd.f32 v2, v0  }
0x56: {  	v2 =	vld [tilespmem:s8+$0x2700]  }
0x57: {  	v0 =	vadd.f32 v3, v0  }
0x58: {  	v3 =	vld [tilespmem:s8+$0x2780]  }
0x59: {  	v0 =	vadd.f32 v1, v0;
	_ =	sdelay $0x1  }
0x5a: {  	v0 =	vadd.f32 v2, v0;
	_ =	sdelay $0x1  }
0x5b: {  	v0 =	vadd.f32 v3, v0;
	_ =	sdelay $0x1  }
0x5c: {  	v0 =	vadd.f32 $9.999999970e-07, v0;
	_ =	sdelay $0x1  }
0x5d: {  	(erf) = vrcp.f32 v0;
	_ =	sdelay $0x3  }
0x5e: {  	s4 =	sadd.s32 $0x10, s4  }
0x5f: {  	v0 =	vld [tilespmem:s4+$0x0];
	_ =	sdelay $0x2  }
.Ltmp0:
0x60: {  	(pc) =	sbr.rel @p0 .LBB2_1-.Ltmp0, $4  }
0x61: {  	v1 =	vpop (erf)  }
0x62: {  	s6 =	sadd.s32 $0x80, s6;
	v0 =	vmul.f32 v1, v0  }
0x63: {  	s5 =	sadd.s32 $0x10, s5;
	s9 =	sand.u32 $0x1C00, s6;
	s8 =	sand.u32 $0x70, s7  }
0x64: {  	s7 =	sadd.s32 $0x10, s7;
	s8 =	sor.u32 s8, s9;
	[tilespmem:s5+$0x0] =	vst v0  }
0x65: {  	v0 =	vld [tilespmem:s8+$0x80]  }
0x66: {  	v1 =	vld [tilespmem:s8+$0x0];
	_ =	sdelay $0x1  }
0x67: {  	v2 =	vld [tilespmem:s8+$0x100];
	_ =	sdelay $0x1  }
0x68: {  	v3 =	vld [tilespmem:s8+$0x180]  }
0x69: {  	v0 =	vadd.f32 v0, v1  }
0x6a: {  	v1 =	vld [tilespmem:s8+$0x200]  }
0x6b: {  	v0 =	vadd.f32 v2, v0  }
0x6c: {  	v2 =	vld [tilespmem:s8+$0x280]  }
0x6d: {  	v0 =	vadd.f32 v3, v0  }
0x6e: {  	v3 =	vld [tilespmem:s8+$0x300]  }
0x6f: {  	v0 =	vadd.f32 v1, v0  }
0x70: {  	v1 =	vld [tilespmem:s8+$0x380]  }
0x71: {  	v0 =	vadd.f32 v2, v0  }
0x72: {  	v2 =	vld [tilespmem:s8+$0x2400]  }
0x73: {  	v0 =	vadd.f32 v3, v0  }
0x74: {  	v3 =	vld [tilespmem:s8+$0x2480]  }
0x75: {  	v0 =	vadd.f32 v1, v0  }
0x76: {  	v1 =	vld [tilespmem:s8+$0x2500]  }
0x77: {  	v0 =	vadd.f32 v2, v0  }
0x78: {  	v2 =	vld [tilespmem:s8+$0x2580]  }
0x79: {  	v0 =	vadd.f32 v3, v0  }
0x7a: {  	v3 =	vld [tilespmem:s8+$0x2600]  }
0x7b: {  	v0 =	vadd.f32 v1, v0  }
0x7c: {  	v1 =	vld [tilespmem:s8+$0x2680]  }
0x7d: {  	v0 =	vadd.f32 v2, v0  }
0x7e: {  	v2 =	vld [tilespmem:s8+$0x2700]  }
0x7f: {  	v0 =	vadd.f32 v3, v0  }
0x80: {  	v3 =	vld [tilespmem:s8+$0x2780]  }
0x81: {  	v0 =	vadd.f32 v1, v0;
	_ =	sdelay $0x1  }
0x82: {  	v0 =	vadd.f32 v2, v0;
	_ =	sdelay $0x1  }
0x83: {  	v0 =	vadd.f32 v3, v0;
	_ =	sdelay $0x1  }
0x84: {  	v0 =	vadd.f32 $9.999999970e-07, v0;
	_ =	sdelay $0x1  }
0x85: {  	(erf) = vrcp.f32 v0;
	_ =	sdelay $0x3  }
0x86: {  	s4 =	sadd.s32 $0x10, s4  }
0x87: {  	v0 =	vld [tilespmem:s4+$0x0];
	_ =	sdelay $0x3  }
0x88: {  	v1 =	vpop (erf)  }
0x89: {  	v0 =	vmul.f32 v1, v0  }
0x8a: {  	s31 =	sadd.s32 $0x10, s5  }
0x8b: {  	[tilespmem:s31+$0x0] =	vst v0;
	v0 =	vimm.f32 $0.0e+00  }
0x8c: {  	s5 =	simm.s32 $0x0;
	[tilespmem:$0x5000] =	vst v0  }
0x8d: {  	v0 =	vld [tilespmem:s5+$0x6900];
	_ =	sdelay $0x5  }
0x8e: {  	v1 =	vld [tilespmem:s5+$0x6910]  }
0x8f: {  	s4 =	simm.s32 $0x4C00;
	v2 =	vld [tilespmem:s5+$0x5080]  }
0x90: {  	v0 =	vld.idx.msk [tilespmem:v0+s4+$0x0], $0xffff;
	_ =	sdelay $0x4  }
0x91: {  	v0 =	vmul.f32 v2, v0;
	_ =	sdelay $0x1  }
0x92: {  	v2 =	vld [tilespmem:s5+$0x6920];
	[tilespmem:s5+$0x5080] =	vst v0  }
0x93: {  	v0 =	vld.idx.msk [tilespmem:v1+s4+$0x0], $0xffff  }
0x94: {  	v1 =	vld [tilespmem:s5+$0x5090];
	_ =	sdelay $0x4  }
0x95: {  	v0 =	vmul.f32 v1, v0;
	_ =	sdelay $0x1  }
0x96: {  	v1 =	vld [tilespmem:s5+$0x6930];
	[tilespmem:s5+$0x5090] =	vst v0  }
0x97: {  	v0 =	vld.idx.msk [tilespmem:v2+s4+$0x0], $0xffff  }
0x98: {  	v2 =	vld [tilespmem:s5+$0x50A0];
	_ =	sdelay $0x4  }
0x99: {  	v2 =	vmul.f32 v2, v0  }
0x9a: {  	s7 =	simm.s32 $0x40  }
0x9b: {  	v0 =	vld [tilespmem:s7+$0x6900];
	[tilespmem:s5+$0x50A0] =	vst v2  }
0x9c: {  	s6 =	simm.s32 $0x200;
	v1 =	vld.idx.msk [tilespmem:v1+s4+$0x0], $0xffff  }
.LBB2_3:
0x9d: {  	p0 =	sne.s32 s6, $0x6100;
	v2 =	vld [tilespmem:s5+$0x50B0];
	_ =	sdelay $0x4  }
0x9e: {  	v1 =	vmul.f32 v2, v1;
	_ =	sdelay $0x1  }
0x9f: {  	v2 =	vld [tilespmem:s7+$0x6910];
	[tilespmem:s5+$0x50B0] =	vst v1;
	s5 =	smov.u32 s7  }
0xa0: {  	v0 =	vld.idx.msk [tilespmem:v0+s4+$0x0], $0xffff  }
0xa1: {  	v1 =	vld [tilespmem:s5+$0x5080];
	_ =	sdelay $0x4  }
0xa2: {  	v0 =	vmul.f32 v1, v0;
	_ =	sdelay $0x1  }
0xa3: {  	[tilespmem:s5+$0x5080] =	vst v0;
	v0 =	vld [tilespmem:s5+$0x6920]  }
0xa4: {  	v1 =	vld.idx.msk [tilespmem:v2+s4+$0x0], $0xffff  }
0xa5: {  	v2 =	vld [tilespmem:s5+$0x5090];
	_ =	sdelay $0x4  }
0xa6: {  	v1 =	vmul.f32 v2, v1;
	_ =	sdelay $0x1  }
0xa7: {  	[tilespmem:s5+$0x5090] =	vst v1;
	v1 =	vld [tilespmem:s5+$0x6930]  }
0xa8: {  	v0 =	vld.idx.msk [tilespmem:v0+s4+$0x0], $0xffff  }
0xa9: {  	v2 =	vld [tilespmem:s5+$0x50A0];
	_ =	sdelay $0x3  }
.Ltmp1:
0xaa: {  	(pc) =	sbr.rel @p0 .LBB2_3-.Ltmp1, $4  }
0xab: {  	v2 =	vmul.f32 v2, v0  }
0xac: {  	s7 =	sshra.s32 s6, $0x2  }
0xad: {  	v0 =	vld [tilespmem:s7+$0x6900];
	[tilespmem:s5+$0x50A0] =	vst v2  }
0xae: {  	s6 =	sadd.s32 $0x100, s6;
	v1 =	vld.idx.msk [tilespmem:v1+s4+$0x0], $0xffff  }
0xaf: {  	v2 =	vld [tilespmem:s5+$0x50B0];
	_ =	sdelay $0x4  }
0xb0: {  	v1 =	vmul.f32 v2, v1;
	_ =	sdelay $0x1  }
0xb1: {  	v57 =	vld [tilespmem:s7+$0x6910];
	[tilespmem:s5+$0x50B0] =	vst v1  }
0xb2: {  	v0 =	vld.idx.msk [tilespmem:v0+s4+$0x0], $0xffff  }
0xb3: {  	v1 =	vld [tilespmem:s7+$0x5080];
	_ =	sdelay $0x4  }
0xb4: {  	v0 =	vmul.f32 v1, v0  }
0xb5: {  	v58 =	vld [tilespmem:s7+$0x5090]  }
0xb6: {  	v59 =	vld [tilespmem:s7+$0x6920];
	[tilespmem:s7+$0x5080] =	vst v0  }
0xb7: {  	v0 =	vld.idx.msk [tilespmem:v57+s4+$0x0], $0xffff;
	_ =	sdelay $0x4  }
0xb8: {  	v0 =	vmul.f32 v58, v0  }
0xb9: {  	v60 =	vld [tilespmem:s7+$0x6930]  }
0xba: {  	v62 =	vld [tilespmem:s7+$0x50A0];
	[tilespmem:s7+$0x5090] =	vst v0  }
0xbb: {  	v61 =	vld.idx.msk [tilespmem:v59+s4+$0x0], $0xffff;
	_ =	sdelay $0x4  }
0xbc: {  	v1 =	vmul.f32 v62, v61;
	_ =	sdelay $0x1  }
0xbd: {  	v63 =	vld [tilespmem:s7+$0x50B0];
	[tilespmem:s7+$0x50A0] =	vst v1  }
0xbe: {  	v0 =	vld.idx.msk [tilespmem:v60+s4+$0x0], $0xffff;
	_ =	sdelay $0x4  }
0xbf: {  	v0 =	vmul.f32 v63, v0  }
0xc0: {  	s2 =	sadd.s32 s3, s2  }
0xc1: {  	s29 =	simm.s32 $0x0;
	s30 =	simm.s32 $0x5080;
	s31 =	simm.s32 $0x1;
	[tilespmem:s7+$0x50B0] =	vst v0  }
0xc2: {  	[hbm4b:s2+s29] =	stream.linear.scatter [tilespmem:s30], [sflag:$0x1], $0x1880, $0x38;
	[tilespmem:$0x8180] =	vst v63  }
0xc3: {  	_ =	swait.ge [sflag:s31], $0x1880  }
0xc4: {  	[sflag:s31] =	ssyncset.done $0x0  }
0xc5: {  	[sflag:s31] =	ssyncadd.s32 $0xFFFFE780  }
0xc6: {  	_ =	sfence.sel $0x180000  }
0xc7: {  	[bflag:$0x0] =	sbarrier.arrive $0xFFFF  }
0xc8: {  	p0 =	sne.s32 s1, $0x0;
	_ =	strace $0x9000004A  }
0xc9: {  	s0 =	sadd.s32 @!p0 $0x100000, s0;
	[bflag:$0x2] =	sbarrier.arrive $0xFFFF  }
0xca: {  	[sflag:s0] =	ssyncadd.tile.s32 @!p0 $0x1;
	_ =	shalt  }
.Lfunc_end2:
_tile_overlayer_lowered:
.L_overlay_start_2:
0xcb: {  	(tag) =	ssettag $0x2  }
0xcc: {  	s0 =	rddreg [dreg:$0x0];
	s2 =	stileid.u32  }
0xcd: {  	s1 =	rddreg [dreg:$0x1];
	p0 =	sne.s32 s2, $0x0  }
0xce: {  	s3 =	rddreg [dreg:$0x2];
	[bflag:$0x3] =	sbarrier.arrive $0xFFFF;
	s2 =	simm.s32 @!p0 $0x1C01  }
0xcf: {  	[timem:s3], [sflag:s2] =	dma.local @!p0 [hbm:s0], s1  }
0xd0: {  	s0 =	simm.s32 @!p0 $0x1  }
0xd1: {  	_ =	swait.ge @!p0 [sflag:s0], s1  }
0xd2: {  	s1 =	ssub.s32 @!p0 $0x0, s1;
	[sflag:s0] =	ssyncset.done @!p0 $0x0  }
0xd3: {  	[sflag:s0] =	ssyncadd.s32 @!p0 s1  }
0xd4: {  	[bflag:$0x3] =	sbarrier.arrive $0xFFFF  }
0xd5: {  	_ =	shalt  }

</sc_bundles>
